<compile_context>
chip_gen: v7x
topology: tpu7x:2x2x1
jax: 0.10.2.dev20260603
libtpu: 0.0.44.dev20260713+nightly
codegen_flags: <defaults>
</compile_context>

<pallas_src>
import functools

import jax
import jax.numpy as jnp
from jax import lax
from jax.experimental import pallas as pl
from jax.experimental.pallas import tpu as pltpu
from jax.experimental.pallas import tpu_sc as plsc

NUM_SEGMENTS = 512
BN_EPS = 1e-5
WN = 128
TAB = NUM_SEGMENTS + WN
_HI = jax.lax.Precision.HIGHEST
_F32 = jnp.float32
_BF = jnp.bfloat16


def _dot(a, b, prec):
    return jax.lax.dot_general(a, b, (((1,), (0,)), ((), ())),
                               precision=prec, preferred_element_type=_F32)


def _split(t):
    hi = t.astype(_BF)
    lo = (t - hi.astype(_F32)).astype(_BF)
    return hi, lo


def _oseg(o, t):
    th, tl = _split(t)
    dn = (((1,), (0,)), ((), ()))
    return (jax.lax.dot_general(o, th, dn, preferred_element_type=_F32)
            + jax.lax.dot_general(o, tl, dn, preferred_element_type=_F32))


def _ogather(o, t_bf):
    dn = (((0,), (0,)), ((), ()))
    return jax.lax.dot_general(o, t_bf, dn, preferred_element_type=_F32)


def _bdot(a_bf, t):
    th, tl = _split(t)
    dn = (((1,), (0,)), ((), ()))
    return (jax.lax.dot_general(a_bf, th, dn, preferred_element_type=_F32)
            + jax.lax.dot_general(a_bf, tl, dn, preferred_element_type=_F32))


def _onehot_narrow(b_row, s_lo, n_rows):
    ids = jax.lax.broadcasted_iota(jnp.int32, (WN, n_rows), 0)
    return (ids == (b_row - s_lo)).astype(_BF)


def _onehot_wide(b_row, n_rows):
    ids = jax.lax.broadcasted_iota(jnp.int32, (TAB, n_rows), 0)
    return (ids == b_row).astype(_BF)


def _make_sc_gather(n_pad, d, nw, nc, n_chunks, ch):
    mesh = plsc.VectorSubcoreMesh(core_axis_name="c", subcore_axis_name="s")

    @functools.partial(
        pl.kernel, mesh=mesh,
        out_type=jax.ShapeDtypeStruct((n_pad, d), _F32),
        scratch_types=[
            pltpu.VMEM((n_chunks, ch), jnp.int32),
            pltpu.VMEM((ch, d), _F32),
            pltpu.SemaphoreType.DMA,
        ],
    )
    def sc_gather(table_hbm, idx_hbm, out_hbm, idx_v, rows_v, sem):
        wid = lax.axis_index("s") * nc + lax.axis_index("c")
        base = wid * (n_chunks * ch)
        pltpu.sync_copy(idx_hbm.at[wid], idx_v)

        def body(j, carry):
            pltpu.async_copy(table_hbm.at[idx_v.at[j]], rows_v, sem).wait()
            pltpu.sync_copy(rows_v, out_hbm.at[pl.ds(base + j * ch, ch)])
            return carry

        lax.fori_loop(0, n_chunks, body, 0)

    return sc_gather


def _pass_a(meta_ref, pers_ref, b3_ref, w1_ref, b1_ref, seg1_ref, acc_ref):
    i = pl.program_id(0)
    nb = pl.num_programs(0)
    br = pers_ref.shape[0]

    @pl.when(i == 0)
    def _():
        acc_ref[...] = jnp.zeros_like(acc_ref)

    x0 = jnp.maximum(_dot(pers_ref[...], w1_ref[...], _HI) + b1_ref[...], 0.0)
    x0e = jnp.concatenate([x0, jnp.ones((br, 1), _F32)], axis=1)
    b = b3_ref[0]
    s_lo = meta_ref[i, 0] * 16
    rng = meta_ref[i, 1] - s_lo

    @pl.when(rng < WN)
    def _():
        o = _onehot_narrow(b, s_lo, br)
        acc_ref[pl.ds(s_lo, WN), :] += _oseg(o, x0e)

    @pl.when(rng >= WN)
    def _():
        o = _onehot_wide(b, br)
        acc_ref[...] += _oseg(o, x0e)

    @pl.when(i == nb - 1)
    def _():
        seg1_ref[...] = acc_ref[0:NUM_SEGMENTS, :]


def _pass_b(meta_ref, pers_ref, b3_ref, seg1_ref, w1_ref, b1_ref, g1w_ref,
            g1b_ref, l1w_ref, l2w_ref, h1_ref, seg2_ref, c2f_ref, c1_ref,
            acc_ref):
    i = pl.program_id(0)
    nb = pl.num_programs(0)
    br = pers_ref.shape[0]
    d = l1w_ref.shape[1]

    @pl.when(i == 0)
    def _():
        s = seg1_ref[...]
        cnt = jnp.clip(s[:, d:d + 1], 1.0, None)
        c1_ref[...] = jnp.zeros_like(c1_ref)
        c1_ref[0:NUM_SEGMENTS, :] = _dot(s[:, :d] / cnt, l1w_ref[...],
                                         _HI).astype(_BF)
        acc_ref[...] = jnp.zeros_like(acc_ref)

    x0 = jnp.maximum(_dot(pers_ref[...], w1_ref[...], _HI) + b1_ref[...], 0.0)
    hg = _dot(x0, g1w_ref[...], _HI) + g1b_ref[...]
    b = b3_ref[0]
    s_lo = meta_ref[i, 0] * 16
    rng = meta_ref[i, 1] - s_lo

    @pl.when(rng < WN)
    def _():
        o = _onehot_narrow(b, s_lo, br)
        h1 = jnp.maximum(hg - _ogather(o, c1_ref[pl.ds(s_lo, WN), :]), 0.0)
        h1_ref[...] = h1.astype(_BF)
        acc_ref[pl.ds(s_lo, WN), :] += _oseg(o, h1)

    @pl.when(rng >= WN)
    def _():
        o = _onehot_wide(b, br)
        h1 = jnp.maximum(hg - _ogather(o, c1_ref[...]), 0.0)
        h1_ref[...] = h1.astype(_BF)
        acc_ref[...] += _oseg(o, h1)

    @pl.when(i == nb - 1)
    def _():
        s2 = acc_ref[0:NUM_SEGMENTS, :]
        seg2_ref[...] = s2
        cnt = jnp.clip(seg1_ref[:, d:d + 1], 1.0, None)
        c2f_ref[...] = _dot(s2 / cnt, l2w_ref[...], _HI)


def _fill_c2(seg1_ref, seg2_ref, l2w_ref, c2_ref):
    d = l2w_ref.shape[0]
    cnt = jnp.clip(seg1_ref[:, d:d + 1], 1.0, None)
    c2_ref[...] = jnp.zeros_like(c2_ref)
    c2_ref[0:NUM_SEGMENTS, :] = _dot(seg2_ref[...] / cnt, l2w_ref[...],
                                     _HI).astype(_BF)


def _pass_c(meta_ref, h1_ref, b3_ref, seg1_ref, seg2_ref, g2w_ref, g2b_ref,
            l2w_ref, stats_ref, c2_ref):
    i = pl.program_id(0)
    br = h1_ref.shape[0]

    @pl.when(i == 0)
    def _():
        _fill_c2(seg1_ref, seg2_ref, l2w_ref, c2_ref)
        stats_ref[...] = jnp.zeros_like(stats_ref)

    hg = _bdot(h1_ref[...], g2w_ref[...]) + g2b_ref[...]
    b = b3_ref[0]
    s_lo = meta_ref[i, 0] * 16
    rng = meta_ref[i, 1] - s_lo

    @pl.when(rng < WN)
    def _():
        o = _onehot_narrow(b, s_lo, br)
        h = jnp.maximum(hg - _ogather(o, c2_ref[pl.ds(s_lo, WN), :]), 0.0)
        s1 = jnp.sum(h, axis=0, keepdims=True)
        s2 = jnp.sum(h * h, axis=0, keepdims=True)
        stats_ref[...] += jnp.concatenate([s1, s2], axis=0)

    @pl.when(rng >= WN)
    def _():
        o = _onehot_wide(b, br)
        h = jnp.maximum(hg - _ogather(o, c2_ref[...]), 0.0)
        s1 = jnp.sum(h, axis=0, keepdims=True)
        s2 = jnp.sum(h * h, axis=0, keepdims=True)
        stats_ref[...] += jnp.concatenate([s1, s2], axis=0)


def _pass_d(x_ref, h1_ref, g2_ref, g2w_ref, g2b_ref, stats_ref, bng_ref,
            bnb_ref, out_ref, ss_ref, *, n_rows):
    i = pl.program_id(0)

    @pl.when(i == 0)
    def _():
        mu = stats_ref[0:1] * (1.0 / n_rows)
        ex2 = stats_ref[1:2] * (1.0 / n_rows)
        var = jnp.maximum(ex2 - mu * mu, 0.0)
        scale = jax.lax.rsqrt(var + BN_EPS) * bng_ref[...]
        shift = bnb_ref[...] - mu * scale
        ss_ref[...] = jnp.concatenate([scale, shift], axis=0)

    hg = _bdot(h1_ref[...], g2w_ref[...]) + g2b_ref[...]
    h = jnp.maximum(hg - g2_ref[...], 0.0)
    out_ref[...] = x_ref[...] + h * ss_ref[0:1] + ss_ref[1:2]


def kernel(x, pers, batch, W1, b1, G1W, G1b, L1W, G2W, G2b, L2W, bn_g, bn_b):
    n, f = x.shape
    p = pers.shape[1]
    d = W1.shape[1]
    br = 4000 if n % 4000 == 0 else n
    nb = n // br
    batch = batch.astype(jnp.int32)
    b3 = batch.reshape(nb, 1, br)
    meta = jnp.stack([batch[::br] // 16, batch[br - 1::br]], axis=1)
    b1r, g1br, g2br = b1.reshape(1, d), G1b.reshape(1, d), G2b.reshape(1, f)
    bngr, bnbr = bn_g.reshape(1, f), bn_b.reshape(1, f)

    info = plsc.get_sparse_core_info()
    nc, ns = info.num_cores, info.num_subcores
    nw = nc * ns
    ch = 128
    n_chunks = -(-n // (nw * ch))
    n_pad = nw * ch * n_chunks
    idx3 = jnp.pad(batch, (0, n_pad - n)).reshape(nw, n_chunks, ch)

    row_spec = lambda w: pl.BlockSpec((br, w), lambda i: (i, 0))
    b3_spec = pl.BlockSpec((1, 1, br), lambda i: (i, 0, 0))
    const = lambda shape: pl.BlockSpec(shape, lambda i: tuple(0 for _ in shape))
    smem = pl.BlockSpec(memory_space=pltpu.SMEM)
    f32 = _F32

    seg1 = pl.pallas_call(
        _pass_a,
        grid=(nb,),
        in_specs=[smem, row_spec(p), b3_spec, const((p, d)), const((1, d))],
        out_specs=const((NUM_SEGMENTS, d + 1)),
        out_shape=jax.ShapeDtypeStruct((NUM_SEGMENTS, d + 1), f32),
        scratch_shapes=[pltpu.VMEM((TAB, d + 1), f32)],
    )(meta, pers, b3, W1, b1r)

    h1, seg2, c2f = pl.pallas_call(
        _pass_b,
        grid=(nb,),
        in_specs=[smem, row_spec(p), b3_spec, const((NUM_SEGMENTS, d + 1)),
                  const((p, d)), const((1, d)), const((d, d)), const((1, d)),
                  const((d, d)), const((d, f))],
        out_specs=[row_spec(d), const((NUM_SEGMENTS, d)),
                   const((NUM_SEGMENTS, f))],
        out_shape=[jax.ShapeDtypeStruct((n, d), jnp.bfloat16),
                   jax.ShapeDtypeStruct((NUM_SEGMENTS, d), f32),
                   jax.ShapeDtypeStruct((NUM_SEGMENTS, f), f32)],
        scratch_shapes=[pltpu.VMEM((TAB, d), jnp.bfloat16),
                        pltpu.VMEM((TAB, d), f32)],
    )(meta, pers, b3, seg1, W1, b1r, G1W, g1br, L1W, L2W)

    g2 = _make_sc_gather(n_pad, f, nw, nc, n_chunks, ch)(c2f, idx3)

    stats = pl.pallas_call(
        _pass_c,
        grid=(nb,),
        in_specs=[smem, row_spec(d), b3_spec, const((NUM_SEGMENTS, d + 1)),
                  const((NUM_SEGMENTS, d)), const((d, f)), const((1, f)),
                  const((d, f))],
        out_specs=const((2, f)),
        out_shape=jax.ShapeDtypeStruct((2, f), f32),
        scratch_shapes=[pltpu.VMEM((TAB, f), jnp.bfloat16)],
    )(meta, h1, b3, seg1, seg2, G2W, g2br, L2W)

    out = pl.pallas_call(
        functools.partial(_pass_d, n_rows=n),
        grid=(nb,),
        in_specs=[row_spec(f), row_spec(d), row_spec(f), const((d, f)),
                  const((1, f)), const((2, f)), const((1, f)), const((1, f))],
        out_specs=row_spec(f),
        out_shape=jax.ShapeDtypeStruct((n, f), f32),
        scratch_shapes=[pltpu.VMEM((2, f), f32)],
    )(x, h1, g2, G2W, g2br, stats, bngr, bnbr)

    return out

# --- scband reference (transcript-rebuilt; emitter-appended) ---
"""Pipeline reference for scband-togl-3152505996138 (READ-ONLY COPY).

The authoritative reference and input builder live on the scoring server;
editing this copy changes nothing except your own understanding.
"""

import jax, jax.numpy as jnp
import numpy as np

N = 100000
N_FEATURES = 128
N_FILTRATIONS = 8
OUT_DIM = 64
NUM_SEGMENTS = 512
BN_EPS = 1e-5


def setup_inputs(seed: int = 0) -> dict:
    key = jax.random.key(seed)
    ks = jax.random.split(key, 12)
    x = jax.random.normal(ks[0], (N, N_FEATURES), dtype=jnp.float32)
    pers = jax.random.normal(ks[1], (N, 2 * N_FILTRATIONS), dtype=jnp.float32)
    batch = jnp.sort(jax.random.randint(ks[2], (N,), 0, NUM_SEGMENTS)).astype(jnp.int64)
    # set_fn[0]: Linear(2*n_filtrations -> out_dim)
    W1 = jax.random.normal(ks[3], (2 * N_FILTRATIONS, OUT_DIM), dtype=jnp.float32) * 0.1
    b1 = jnp.zeros((OUT_DIM,), dtype=jnp.float32)
    # DeepSetLayer(out_dim, out_dim)
    G1W = jax.random.normal(ks[4], (OUT_DIM, OUT_DIM), dtype=jnp.float32) * 0.1
    G1b = jnp.zeros((OUT_DIM,), dtype=jnp.float32)
    L1W = jax.random.normal(ks[5], (OUT_DIM, OUT_DIM), dtype=jnp.float32) * 0.1
    # DeepSetLayer(out_dim, n_features)
    G2W = jax.random.normal(ks[6], (OUT_DIM, N_FEATURES), dtype=jnp.float32) * 0.1
    G2b = jnp.zeros((N_FEATURES,), dtype=jnp.float32)
    L2W = jax.random.normal(ks[7], (OUT_DIM, N_FEATURES), dtype=jnp.float32) * 0.1
    # BatchNorm1d(n_features) affine params (training-mode batch stats)
    bn_g = jnp.ones((N_FEATURES,), dtype=jnp.float32)
    bn_b = jnp.zeros((N_FEATURES,), dtype=jnp.float32)
    return {"x": x, "pers": pers, "batch": batch, "W1": W1, "b1": b1,
            "G1W": G1W, "G1b": G1b, "L1W": L1W,
            "G2W": G2W, "G2b": G2b, "L2W": L2W,
            "bn_g": bn_g, "bn_b": bn_b}


def _deepset_layer(h, batch, GW, Gb, LW):
    # xm = scatter(h, batch, dim=0, reduce='mean')
    seg_sum = jax.ops.segment_sum(h, batch, num_segments=NUM_SEGMENTS)
    cnt = jax.ops.segment_sum(jnp.ones((h.shape[0],), dtype=h.dtype), batch,
                              num_segments=NUM_SEGMENTS)
    xm = seg_sum / jnp.clip(cnt, 1.0, None)[:, None]
    xm = xm @ LW            # Lambda (no bias)
    hg = h @ GW + Gb        # Gamma
    return hg - xm[batch, :]


def reference(x, pers, batch, W1, b1, G1W, G1b, L1W, G2W, G2b, L2W, bn_g, bn_b):
    batch = batch.astype(jnp.int32)
    # set_fn: Linear -> ReLU -> DeepSet -> ReLU -> DeepSet
    x0 = pers @ W1 + b1
    x0 = jax.nn.relu(x0)
    x0 = _deepset_layer(x0, batch, G1W, G1b, L1W)
    x0 = jax.nn.relu(x0)
    x0 = _deepset_layer(x0, batch, G2W, G2b, L2W)
    # x = x + batch_norm(relu(x0))  (BatchNorm1d, training mode, biased var)
    h = jax.nn.relu(x0)
    mu = jnp.mean(h, axis=0)
    var = jnp.mean((h - mu) ** 2, axis=0)
    hn = (h - mu) / jnp.sqrt(var + BN_EPS) * bn_g + bn_b
    return x + hn

if __name__ == "__main__":
    import jax
    _d = setup_inputs()
    print(jax.jit(kernel)(*tuple(_d.values())))

</pallas_src>

<mosaic_0001>
#map = affine_map<(d0, d1) -> (0, 0)>
#map1 = affine_map<(d0, d1) -> (0, 0, 0)>
module attributes {stable_mosaic.version = 14 : i64} {
  func.func @sc_gather(%arg0: i32, %arg1: i32, %arg2: memref<512x128xf32, #tpu.memory_space<hbm>>, %arg3: memref<32x25x128xi32, #tpu.memory_space<hbm>>, %arg4: memref<102400x128xf32, #tpu.memory_space<hbm>>, %arg5: memref<25x128xi32, #tpu.memory_space<vmem>>, %arg6: memref<128x128xf32, #tpu.memory_space<vmem>>, %arg7: memref<!tpu.dma_semaphore, #tpu.memory_space<semaphore_mem>>) attributes {dimension_semantics = [#tpu.dimension_semantics<core_parallel>, #tpu.dimension_semantics<subcore_parallel>], iteration_bounds = array<i64: 2, 16>, scalar_prefetch = 0 : i64, scratch_operands = 3 : i64, tpu.core_type = #tpu.core_type<sc_vector_subcore>, window_params = [{transform_indices = #map}, {transform_indices = #map1}, {transform_indices = #map}]} {
    %mul3A = arith.constant 2 : i32
    %mul3A_0 = arith.muli %arg1, %mul3A : i32
    %add3A = arith.addi %mul3A_0, %arg0 : i32
    %mul3A_1 = arith.constant 3200 : i32
    %mul3A_2 = arith.muli %add3A, %mul3A_1 : i32
    "tpu.region"() ({
      %run_scoped3A = tpu.sem_alloc : memref<!tpu.dma_semaphore, #tpu.memory_space<semaphore_mem>>
      %dma_start3A = arith.constant 0 : i32
      %dma_start3A_8 = arith.constant 0 : i32
      %dma_start3A_9 = tpu.memref_slice %arg3[%add3A, %dma_start3A, %dma_start3A_8] : memref<32x25x128xi32, #tpu.memory_space<hbm>> -> memref<1x25x128xi32, #tpu.memory_space<hbm>>
      %dma_start3A_10 = tpu.memref_squeeze %dma_start3A_9 : memref<1x25x128xi32, #tpu.memory_space<hbm>> -> memref<25x128xi32, #tpu.memory_space<hbm>>
      %dma_start3A_11 = arith.constant 0 : i32
      %dma_start3A_12 = arith.constant 0 : i32
      %dma_start3A_13 = tpu.memref_slice %arg3[%add3A, %dma_start3A_11, %dma_start3A_12] : memref<32x25x128xi32, #tpu.memory_space<hbm>> -> memref<1x25x128xi32, #tpu.memory_space<hbm>>
      %dma_start3A_14 = tpu.memref_squeeze %dma_start3A_13 : memref<1x25x128xi32, #tpu.memory_space<hbm>> -> memref<25x128xi32, #tpu.memory_space<hbm>>
      tpu.enqueue_dma source(%dma_start3A_14 : memref<25x128xi32, #tpu.memory_space<hbm>>) target(%arg5 : memref<25x128xi32, #tpu.memory_space<vmem>>) target_semaphore(%run_scoped3A : memref<!tpu.dma_semaphore, #tpu.memory_space<semaphore_mem>>)
      %dma_wait3A = arith.constant 0 : i32
      %dma_wait3A_15 = arith.constant 0 : i32
      %dma_wait3A_16 = tpu.memref_slice %arg3[%add3A, %dma_wait3A, %dma_wait3A_15] : memref<32x25x128xi32, #tpu.memory_space<hbm>> -> memref<1x25x128xi32, #tpu.memory_space<hbm>>
      %dma_wait3A_17 = tpu.memref_squeeze %dma_wait3A_16 : memref<1x25x128xi32, #tpu.memory_space<hbm>> -> memref<25x128xi32, #tpu.memory_space<hbm>>
      %dma_wait3A_18 = arith.constant 0 : i32
      %dma_wait3A_19 = arith.constant 0 : i32
      %dma_wait3A_20 = tpu.memref_slice %arg3[%add3A, %dma_wait3A_18, %dma_wait3A_19] : memref<32x25x128xi32, #tpu.memory_space<hbm>> -> memref<1x25x128xi32, #tpu.memory_space<hbm>>
      %dma_wait3A_21 = tpu.memref_squeeze %dma_wait3A_20 : memref<1x25x128xi32, #tpu.memory_space<hbm>> -> memref<25x128xi32, #tpu.memory_space<hbm>>
      tpu.wait_dma2 semaphore(%run_scoped3A : memref<!tpu.dma_semaphore, #tpu.memory_space<semaphore_mem>>) src(%dma_wait3A_21 : memref<25x128xi32, #tpu.memory_space<hbm>>) dst(%arg5 : memref<25x128xi32, #tpu.memory_space<vmem>>)
      tpu.yield
    }) : () -> ()
    %scan3A = arith.constant 0 : i32
    %scan3A_3 = arith.constant 0 : i32
    %scan3A_4 = arith.constant 25 : i32
    %scan3A_5 = arith.addi %scan3A_3, %scan3A_4 : i32
    %scan3A_6 = arith.constant 1 : i32
    scf.for %scan3A_8 = %scan3A_3 to %scan3A_5 step %scan3A_6  : i32 {
      %dma_start3A = arith.constant 0 : i32
      %dma_start3A_9 = tpu.memref_slice %arg5[%scan3A_8, %dma_start3A] : memref<25x128xi32, #tpu.memory_space<vmem>> -> memref<1x128xi32, #tpu.memory_space<vmem>>
      %dma_start3A_10 = tpu.memref_squeeze %dma_start3A_9 : memref<1x128xi32, #tpu.memory_space<vmem>> -> memref<128xi32, #tpu.memory_space<vmem>>
      %dma_start3A_11 = arith.constant 0 : i32
      %dma_start3A_12 = arith.constant 0 : i32
      %dma_start3A_13 = tpu.memref_slice %arg2[%dma_start3A_11, %dma_start3A_12] : memref<512x128xf32, #tpu.memory_space<hbm>> -> memref<512x128xf32, #tpu.memory_space<hbm>>
      tpu.enqueue_indirect_dma source(%dma_start3A_13 : memref<512x128xf32, #tpu.memory_space<hbm>>) target(%arg6 : memref<128x128xf32, #tpu.memory_space<vmem>>) offsets(%dma_start3A_10 : memref<128xi32, #tpu.memory_space<vmem>>) semaphore(%arg7 : memref<!tpu.dma_semaphore, #tpu.memory_space<semaphore_mem>>)
      %dma_wait3A = arith.constant 0 : i32
      %dma_wait3A_14 = tpu.memref_slice %arg5[%scan3A_8, %dma_wait3A] : memref<25x128xi32, #tpu.memory_space<vmem>> -> memref<1x128xi32, #tpu.memory_space<vmem>>
      %dma_wait3A_15 = tpu.memref_squeeze %dma_wait3A_14 : memref<1x128xi32, #tpu.memory_space<vmem>> -> memref<128xi32, #tpu.memory_space<vmem>>
      %dma_wait3A_16 = arith.constant 0 : i32
      %dma_wait3A_17 = arith.constant 0 : i32
      %dma_wait3A_18 = tpu.memref_slice %arg2[%dma_wait3A_16, %dma_wait3A_17] : memref<512x128xf32, #tpu.memory_space<hbm>> -> memref<512x128xf32, #tpu.memory_space<hbm>>
      tpu.wait_indirect_dma semaphore(%arg7 : memref<!tpu.dma_semaphore, #tpu.memory_space<semaphore_mem>>) src(%dma_wait3A_18 : memref<512x128xf32, #tpu.memory_space<hbm>>) dst(%arg6 : memref<128x128xf32, #tpu.memory_space<vmem>>)
      %mul3A_19 = arith.constant 128 : i32
      %mul3A_20 = arith.muli %scan3A_8, %mul3A_19 : i32
      %add3A_21 = arith.addi %mul3A_2, %mul3A_20 : i32
      "tpu.region"() ({
        %run_scoped3A = tpu.sem_alloc : memref<!tpu.dma_semaphore, #tpu.memory_space<semaphore_mem>>
        %dma_start3A_22 = arith.constant 0 : i32
        %dma_start3A_23 = tpu.memref_slice %arg4[%add3A_21, %dma_start3A_22] : memref<102400x128xf32, #tpu.memory_space<hbm>> -> memref<128x128xf32, #tpu.memory_space<hbm>>
        %dma_start3A_24 = arith.constant 0 : i32
        %dma_start3A_25 = tpu.memref_slice %arg4[%add3A_21, %dma_start3A_24] : memref<102400x128xf32, #tpu.memory_space<hbm>> -> memref<128x128xf32, #tpu.memory_space<hbm>>
        tpu.enqueue_dma source(%arg6 : memref<128x128xf32, #tpu.memory_space<vmem>>) target(%dma_start3A_25 : memref<128x128xf32, #tpu.memory_space<hbm>>) target_semaphore(%run_scoped3A : memref<!tpu.dma_semaphore, #tpu.memory_space<semaphore_mem>>)
        %dma_wait3A_26 = arith.constant 0 : i32
        %dma_wait3A_27 = tpu.memref_slice %arg4[%add3A_21, %dma_wait3A_26] : memref<102400x128xf32, #tpu.memory_space<hbm>> -> memref<128x128xf32, #tpu.memory_space<hbm>>
        %dma_wait3A_28 = arith.constant 0 : i32
        %dma_wait3A_29 = tpu.memref_slice %arg4[%add3A_21, %dma_wait3A_28] : memref<102400x128xf32, #tpu.memory_space<hbm>> -> memref<128x128xf32, #tpu.memory_space<hbm>>
        tpu.wait_dma2 semaphore(%run_scoped3A : memref<!tpu.dma_semaphore, #tpu.memory_space<semaphore_mem>>) src(%arg6 : memref<128x128xf32, #tpu.memory_space<vmem>>) dst(%dma_wait3A_29 : memref<128x128xf32, #tpu.memory_space<hbm>>)
        tpu.yield
      }) : () -> ()
    }
    %scan3A_7 = arith.constant 25 : i32
    return
  }
}

module attributes {stable_mosaic.version = 14 : i64} {
  func.func @_pass_b(%arg0: i32, %arg1: memref<25x2xi32, #tpu.memory_space<smem>>, %arg2: memref<4000x16xf32, #tpu.memory_space<vmem>>, %arg3: memref<1x1x4000xi32, #tpu.memory_space<vmem>>, %arg4: memref<512x65xf32, #tpu.memory_space<vmem>>, %arg5: memref<16x64xf32, #tpu.memory_space<vmem>>, %arg6: memref<1x64xf32, #tpu.memory_space<vmem>>, %arg7: memref<64x64xf32, #tpu.memory_space<vmem>>, %arg8: memref<1x64xf32, #tpu.memory_space<vmem>>, %arg9: memref<64x64xf32, #tpu.memory_space<vmem>>, %arg10: memref<64x128xf32, #tpu.memory_space<vmem>>, %arg11: memref<4000x64xbf16, #tpu.memory_space<vmem>>, %arg12: memref<512x64xf32, #tpu.memory_space<vmem>>, %arg13: memref<512x128xf32, #tpu.memory_space<vmem>>, %arg14: memref<640x64xbf16, #tpu.memory_space<vmem>>, %arg15: memref<640x64xf32, #tpu.memory_space<vmem>>) attributes {dimension_semantics = [#tpu.dimension_semantics<arbitrary>], iteration_bounds = array<i64: 25>, scalar_prefetch = 0 : i64, scratch_operands = 2 : i64, tpu.core_type = #tpu.core_type<tc>, window_params = [{transform_indices = @transform_0, window_bounds = array<i64: 25, 2>}, {transform_indices = @transform_1, window_bounds = array<i64: 4000, 16>}, {transform_indices = @transform_2, window_bounds = array<i64: 1, 1, 4000>}, {pipeline_mode = #tpu.pipeline_mode<synchronous>, transform_indices = @transform_3, window_bounds = array<i64: 512, 65>}, {pipeline_mode = #tpu.pipeline_mode<synchronous>, transform_indices = @transform_4, window_bounds = array<i64: 16, 64>}, {pipeline_mode = #tpu.pipeline_mode<synchronous>, transform_indices = @transform_5, window_bounds = array<i64: 1, 64>}, {pipeline_mode = #tpu.pipeline_mode<synchronous>, transform_indices = @transform_6, window_bounds = array<i64: 64, 64>}, {pipeline_mode = #tpu.pipeline_mode<synchronous>, transform_indices = @transform_7, window_bounds = array<i64: 1, 64>}, {pipeline_mode = #tpu.pipeline_mode<synchronous>, transform_indices = @transform_8, window_bounds = array<i64: 64, 64>}, {pipeline_mode = #tpu.pipeline_mode<synchronous>, transform_indices = @transform_9, window_bounds = array<i64: 64, 128>}, {transform_indices = @transform_10, window_bounds = array<i64: 4000, 64>}, {pipeline_mode = #tpu.pipeline_mode<synchronous>, transform_indices = @transform_11, window_bounds = array<i64: 512, 64>}, {pipeline_mode = #tpu.pipeline_mode<synchronous>, transform_indices = @transform_12, window_bounds = array<i64: 512, 128>}]} {
    %eq3A = arith.constant 0 : i32
    %eq3A_0 = arith.cmpi eq, %arg0, %eq3A : i32
    %convert_element_type3A = arith.extui %eq3A_0 : i1 to i32
    %cond3A = arith.constant 0 : i32
    %cond3A_1 = arith.cmpi ne, %convert_element_type3A, %cond3A : i32
    scf.if %cond3A_1 {
      %get3A_49 = arith.constant 0 : index
      %get3A_50 = arith.constant 0 : index
      %get3A_51 = vector.load %arg4[%get3A_49, %get3A_50] : memref<512x65xf32, #tpu.memory_space<vmem>>, vector<512x65xf32>
      %slice3A = vector.extract_strided_slice %get3A_51 {offsets = [0, 64], sizes = [512, 1], strides = [1, 1]} : vector<512x65xf32> to vector<512x1xf32>
      %jit3A = arith.constant 1.000000e+00 : f32
      %max3A_52 = vector.broadcast %jit3A : f32 to vector<512x1xf32>
      %max3A_53 = arith.maximumf %max3A_52, %slice3A : vector<512x1xf32>
      %broadcast_in_dim3A = arith.constant 0.000000e+00 : bf16
      %broadcast_in_dim3A_54 = vector.broadcast %broadcast_in_dim3A : bf16 to vector<640x64xbf16>
      %swap3A = arith.constant 0 : index
      %swap3A_55 = arith.constant 0 : index
      %swap3A_56 = vector.load %arg14[%swap3A, %swap3A_55] : memref<640x64xbf16, #tpu.memory_space<vmem>>, vector<640x64xbf16>
      tpu.vector_store %arg14[%swap3A, %swap3A_55], %broadcast_in_dim3A_54 {strides = array<i32>} : memref<640x64xbf16, #tpu.memory_space<vmem>>, vector<640x64xbf16>,
      %slice3A_57 = vector.extract_strided_slice %get3A_51 {offsets = [0, 0], sizes = [512, 64], strides = [1, 1]} : vector<512x65xf32> to vector<512x64xf32>
      %div3A = vector.broadcast %max3A_53 : vector<512x1xf32> to vector<512x64xf32>
      %div3A_58 = arith.divf %slice3A_57, %div3A : vector<512x64xf32>
      %get3A_59 = arith.constant 0 : index
      %get3A_60 = arith.constant 0 : index
      %get3A_61 = vector.load %arg9[%get3A_59, %get3A_60] : memref<64x64xf32, #tpu.memory_space<vmem>>, vector<64x64xf32>
      %dot_general3A_62 = arith.constant dense<0.000000e+00> : vector<512x64xf32>
      %dot_general3A_63 = tpu.matmul %div3A_58, %get3A_61, %dot_general3A_62 {dimension_numbers = #tpu.dot_dimension_numbers<[1], [0], [0], [1], [0, 0, 1, 1], [], []>, precision = #tpu.contract_precision<fp32>, transpose_lhs_hint = false} : vector<512x64xf32>, vector<64x64xf32>, vector<512x64xf32> -> vector<512x64xf32>
      %convert_element_type3A_64 = arith.truncf %dot_general3A_63 : vector<512x64xf32> to vector<512x64xbf16>
      %swap3A_65 = arith.constant 0 : index
      %swap3A_66 = arith.constant 0 : index
      %swap3A_67 = vector.load %arg14[%swap3A_65, %swap3A_66] : memref<640x64xbf16, #tpu.memory_space<vmem>>, vector<512x64xbf16>
      tpu.vector_store %arg14[%swap3A_65, %swap3A_66], %convert_element_type3A_64 {strides = array<i32>} : memref<640x64xbf16, #tpu.memory_space<vmem>>, vector<512x64xbf16>,
      %broadcast_in_dim3A_68 = arith.constant 0.000000e+00 : f32
      %broadcast_in_dim3A_69 = vector.broadcast %broadcast_in_dim3A_68 : f32 to vector<640x64xf32>
      %swap3A_70 = arith.constant 0 : index
      %swap3A_71 = arith.constant 0 : index
      %swap3A_72 = vector.load %arg15[%swap3A_70, %swap3A_71] : memref<640x64xf32, #tpu.memory_space<vmem>>, vector<640x64xf32>
      tpu.vector_store %arg15[%swap3A_70, %swap3A_71], %broadcast_in_dim3A_69 {strides = array<i32>} : memref<640x64xf32, #tpu.memory_space<vmem>>, vector<640x64xf32>,
    } else {
    }
    %get3A = arith.constant 0 : index
    %get3A_2 = arith.constant 0 : index
    %get3A_3 = vector.load %arg2[%get3A, %get3A_2] : memref<4000x16xf32, #tpu.memory_space<vmem>>, vector<4000x16xf32>
    %get3A_4 = arith.constant 0 : index
    %get3A_5 = arith.constant 0 : index
    %get3A_6 = vector.load %arg5[%get3A_4, %get3A_5] : memref<16x64xf32, #tpu.memory_space<vmem>>, vector<16x64xf32>
    %dot_general3A = arith.constant dense<0.000000e+00> : vector<4000x64xf32>
    %dot_general3A_7 = tpu.matmul %get3A_3, %get3A_6, %dot_general3A {dimension_numbers = #tpu.dot_dimension_numbers<[1], [0], [0], [1], [0, 0, 1, 1], [], []>, precision = #tpu.contract_precision<fp32>, transpose_lhs_hint = false} : vector<4000x16xf32>, vector<16x64xf32>, vector<4000x64xf32> -> vector<4000x64xf32>
    %get3A_8 = arith.constant 0 : index
    %get3A_9 = arith.constant 0 : index
    %get3A_10 = vector.load %arg6[%get3A_8, %get3A_9] : memref<1x64xf32, #tpu.memory_space<vmem>>, vector<1x64xf32>
    %add3A = vector.broadcast %get3A_10 : vector<1x64xf32> to vector<4000x64xf32>
    %add3A_11 = arith.addf %dot_general3A_7, %add3A : vector<4000x64xf32>
    %max3A = arith.constant 0.000000e+00 : f32
    %max3A_12 = vector.broadcast %max3A : f32 to vector<4000x64xf32>
    %max3A_13 = arith.maximumf %add3A_11, %max3A_12 : vector<4000x64xf32>
    %get3A_14 = arith.constant 0 : index
    %get3A_15 = arith.constant 0 : index
    %get3A_16 = vector.load %arg7[%get3A_14, %get3A_15] : memref<64x64xf32, #tpu.memory_space<vmem>>, vector<64x64xf32>
    %dot_general3A_17 = arith.constant dense<0.000000e+00> : vector<4000x64xf32>
    %dot_general3A_18 = tpu.matmul %max3A_13, %get3A_16, %dot_general3A_17 {dimension_numbers = #tpu.dot_dimension_numbers<[1], [0], [0], [1], [0, 0, 1, 1], [], []>, precision = #tpu.contract_precision<fp32>, transpose_lhs_hint = false} : vector<4000x64xf32>, vector<64x64xf32>, vector<4000x64xf32> -> vector<4000x64xf32>
    %get3A_19 = arith.constant 0 : index
    %get3A_20 = arith.constant 0 : index
    %get3A_21 = vector.load %arg8[%get3A_19, %get3A_20] : memref<1x64xf32, #tpu.memory_space<vmem>>, vector<1x64xf32>
    %add3A_22 = vector.broadcast %get3A_21 : vector<1x64xf32> to vector<4000x64xf32>
    %add3A_23 = arith.addf %dot_general3A_18, %add3A_22 : vector<4000x64xf32>
    %get3A_24 = arith.constant 0 : index
    %get3A_25 = arith.constant 0 : index
    %get3A_26 = arith.constant 0 : index
    %get3A_27 = vector.load %arg3[%get3A_24, %get3A_25, %get3A_26] : memref<1x1x4000xi32, #tpu.memory_space<vmem>>, vector<1x1x4000xi32>
    %get3A_28 = vector.shape_cast %get3A_27 : vector<1x1x4000xi32> to vector<1x4000xi32>
    %get3A_29 = arith.index_cast %arg0 : i32 to index
    %get3A_30 = arith.constant 0 : index
    %get3A_31 = memref.load %arg1[%get3A_29, %get3A_30] : memref<25x2xi32, #tpu.memory_space<smem>>
    %mul3A = arith.constant 16 : i32
    %mul3A_32 = arith.muli %get3A_31, %mul3A : i32
    %get3A_33 = arith.index_cast %arg0 : i32 to index
    %get3A_34 = arith.constant 1 : index
    %get3A_35 = memref.load %arg1[%get3A_33, %get3A_34] : memref<25x2xi32, #tpu.memory_space<smem>>
    %sub3A = arith.subi %get3A_35, %mul3A_32 : i32
    %lt3A = arith.constant 128 : i32
    %lt3A_36 = arith.cmpi slt, %sub3A, %lt3A : i32
    %convert_element_type3A_37 = arith.extui %lt3A_36 : i1 to i32
    %cond3A_38 = arith.constant 0 : i32
    %cond3A_39 = arith.cmpi ne, %convert_element_type3A_37, %cond3A_38 : i32
    scf.if %cond3A_39 {
      %iota3A = tpu.iota {dimensions = array<i32: 0>} : vector<128x4000xi32>
      %sub3A_49 = vector.broadcast %mul3A_32 : i32 to vector<1x4000xi32>
      %sub3A_50 = arith.subi %get3A_28, %sub3A_49 : vector<1x4000xi32>
      %eq3A_51 = vector.broadcast %sub3A_50 : vector<1x4000xi32> to vector<128x4000xi32>
      %eq3A_52 = arith.cmpi eq, %iota3A, %eq3A_51 : vector<128x4000xi32>
      %convert_element_type3A_53 = arith.extui %eq3A_52 : vector<128x4000xi1> to vector<128x4000xi32>
      %convert_element_type3A_54 = arith.sitofp %convert_element_type3A_53 : vector<128x4000xi32> to vector<128x4000xf32>
      %convert_element_type3A_55 = arith.truncf %convert_element_type3A_54 : vector<128x4000xf32> to vector<128x4000xbf16>
      %get3A_56 = arith.index_cast %mul3A_32 : i32 to index
      %get3A_57 = arith.constant 0 : index
      %get3A_58 = vector.load %arg14[%get3A_56, %get3A_57] : memref<640x64xbf16, #tpu.memory_space<vmem>>, vector<128x64xbf16>
      %dot_general3A_59 = arith.constant dense<0.000000e+00> : vector<4000x64xf32>
      %dot_general3A_60 = tpu.matmul %convert_element_type3A_55, %get3A_58, %dot_general3A_59 {dimension_numbers = #tpu.dot_dimension_numbers<[0], [0], [1], [1], [0, 1, 1, 1], [], []>, transpose_lhs_hint = false} : vector<128x4000xbf16>, vector<128x64xbf16>, vector<4000x64xf32> -> vector<4000x64xf32>
      %sub3A_61 = arith.subf %add3A_23, %dot_general3A_60 : vector<4000x64xf32>
      %max3A_62 = arith.constant 0.000000e+00 : f32
      %max3A_63 = vector.broadcast %max3A_62 : f32 to vector<4000x64xf32>
      %max3A_64 = arith.maximumf %sub3A_61, %max3A_63 : vector<4000x64xf32>
      %convert_element_type3A_65 = arith.truncf %max3A_64 : vector<4000x64xf32> to vector<4000x64xbf16>
      %swap3A = arith.constant 0 : index
      %swap3A_66 = arith.constant 0 : index
      %swap3A_67 = vector.load %arg11[%swap3A, %swap3A_66] : memref<4000x64xbf16, #tpu.memory_space<vmem>>, vector<4000x64xbf16>
      tpu.vector_store %arg11[%swap3A, %swap3A_66], %convert_element_type3A_65 {strides = array<i32>} : memref<4000x64xbf16, #tpu.memory_space<vmem>>, vector<4000x64xbf16>,
      %get3A_68 = arith.index_cast %mul3A_32 : i32 to index
      %get3A_69 = arith.constant 0 : index
      %get3A_70 = vector.load %arg15[%get3A_68, %get3A_69] : memref<640x64xf32, #tpu.memory_space<vmem>>, vector<128x64xf32>
      %convert_element_type3A_71 = arith.truncf %max3A_64 : vector<4000x64xf32> to vector<4000x64xbf16>
      %convert_element_type3A_72 = arith.extf %convert_element_type3A_71 : vector<4000x64xbf16> to vector<4000x64xf32>
      %sub3A_73 = arith.subf %max3A_64, %convert_element_type3A_72 : vector<4000x64xf32>
      %convert_element_type3A_74 = arith.truncf %sub3A_73 : vector<4000x64xf32> to vector<4000x64xbf16>
      %dot_general3A_75 = arith.constant dense<0.000000e+00> : vector<128x64xf32>
      %dot_general3A_76 = tpu.matmul %convert_element_type3A_55, %convert_element_type3A_71, %dot_general3A_75 {dimension_numbers = #tpu.dot_dimension_numbers<[1], [0], [0], [1], [0, 0, 1, 1], [], []>, transpose_lhs_hint = false} : vector<128x4000xbf16>, vector<4000x64xbf16>, vector<128x64xf32> -> vector<128x64xf32>
      %dot_general3A_77 = arith.constant dense<0.000000e+00> : vector<128x64xf32>
      %dot_general3A_78 = tpu.matmul %convert_element_type3A_55, %convert_element_type3A_74, %dot_general3A_77 {dimension_numbers = #tpu.dot_dimension_numbers<[1], [0], [0], [1], [0, 0, 1, 1], [], []>, transpose_lhs_hint = false} : vector<128x4000xbf16>, vector<4000x64xbf16>, vector<128x64xf32> -> vector<128x64xf32>
      %add3A_79 = arith.addf %dot_general3A_76, %dot_general3A_78 : vector<128x64xf32>
      %add3A_80 = arith.addf %get3A_70, %add3A_79 : vector<128x64xf32>
      %swap3A_81 = arith.index_cast %mul3A_32 : i32 to index
      %swap3A_82 = arith.constant 0 : index
      %swap3A_83 = vector.load %arg15[%swap3A_81, %swap3A_82] : memref<640x64xf32, #tpu.memory_space<vmem>>, vector<128x64xf32>
      tpu.vector_store %arg15[%swap3A_81, %swap3A_82], %add3A_80 {strides = array<i32>} : memref<640x64xf32, #tpu.memory_space<vmem>>, vector<128x64xf32>,
    } else {
    }
    %ge3A = arith.constant 128 : i32
    %ge3A_40 = arith.cmpi sge, %sub3A, %ge3A : i32
    %convert_element_type3A_41 = arith.extui %ge3A_40 : i1 to i32
    %cond3A_42 = arith.constant 0 : i32
    %cond3A_43 = arith.cmpi ne, %convert_element_type3A_41, %cond3A_42 : i32
    scf.if %cond3A_43 {
      %iota3A = tpu.iota {dimensions = array<i32: 0>} : vector<640x4000xi32>
      %eq3A_49 = vector.broadcast %get3A_28 : vector<1x4000xi32> to vector<640x4000xi32>
      %eq3A_50 = arith.cmpi eq, %iota3A, %eq3A_49 : vector<640x4000xi32>
      %convert_element_type3A_51 = arith.extui %eq3A_50 : vector<640x4000xi1> to vector<640x4000xi32>
      %convert_element_type3A_52 = arith.sitofp %convert_element_type3A_51 : vector<640x4000xi32> to vector<640x4000xf32>
      %convert_element_type3A_53 = arith.truncf %convert_element_type3A_52 : vector<640x4000xf32> to vector<640x4000xbf16>
      %get3A_54 = arith.constant 0 : index
      %get3A_55 = arith.constant 0 : index
      %get3A_56 = vector.load %arg14[%get3A_54, %get3A_55] : memref<640x64xbf16, #tpu.memory_space<vmem>>, vector<640x64xbf16>
      %dot_general3A_57 = arith.constant dense<0.000000e+00> : vector<4000x64xf32>
      %dot_general3A_58 = tpu.matmul %convert_element_type3A_53, %get3A_56, %dot_general3A_57 {dimension_numbers = #tpu.dot_dimension_numbers<[0], [0], [1], [1], [0, 1, 1, 1], [], []>, transpose_lhs_hint = false} : vector<640x4000xbf16>, vector<640x64xbf16>, vector<4000x64xf32> -> vector<4000x64xf32>
      %sub3A_59 = arith.subf %add3A_23, %dot_general3A_58 : vector<4000x64xf32>
      %max3A_60 = arith.constant 0.000000e+00 : f32
      %max3A_61 = vector.broadcast %max3A_60 : f32 to vector<4000x64xf32>
      %max3A_62 = arith.maximumf %sub3A_59, %max3A_61 : vector<4000x64xf32>
      %convert_element_type3A_63 = arith.truncf %max3A_62 : vector<4000x64xf32> to vector<4000x64xbf16>
      %swap3A = arith.constant 0 : index
      %swap3A_64 = arith.constant 0 : index
      %swap3A_65 = vector.load %arg11[%swap3A, %swap3A_64] : memref<4000x64xbf16, #tpu.memory_space<vmem>>, vector<4000x64xbf16>
      tpu.vector_store %arg11[%swap3A, %swap3A_64], %convert_element_type3A_63 {strides = array<i32>} : memref<4000x64xbf16, #tpu.memory_space<vmem>>, vector<4000x64xbf16>,
      %get3A_66 = arith.constant 0 : index
      %get3A_67 = arith.constant 0 : index
      %get3A_68 = vector.load %arg15[%get3A_66, %get3A_67] : memref<640x64xf32, #tpu.memory_space<vmem>>, vector<640x64xf32>
      %convert_element_type3A_69 = arith.truncf %max3A_62 : vector<4000x64xf32> to vector<4000x64xbf16>
      %convert_element_type3A_70 = arith.extf %convert_element_type3A_69 : vector<4000x64xbf16> to vector<4000x64xf32>
      %sub3A_71 = arith.subf %max3A_62, %convert_element_type3A_70 : vector<4000x64xf32>
      %convert_element_type3A_72 = arith.truncf %sub3A_71 : vector<4000x64xf32> to vector<4000x64xbf16>
      %dot_general3A_73 = arith.constant dense<0.000000e+00> : vector<640x64xf32>
      %dot_general3A_74 = tpu.matmul %convert_element_type3A_53, %convert_element_type3A_69, %dot_general3A_73 {dimension_numbers = #tpu.dot_dimension_numbers<[1], [0], [0], [1], [0, 0, 1, 1], [], []>, transpose_lhs_hint = false} : vector<640x4000xbf16>, vector<4000x64xbf16>, vector<640x64xf32> -> vector<640x64xf32>
      %dot_general3A_75 = arith.constant dense<0.000000e+00> : vector<640x64xf32>
      %dot_general3A_76 = tpu.matmul %convert_element_type3A_53, %convert_element_type3A_72, %dot_general3A_75 {dimension_numbers = #tpu.dot_dimension_numbers<[1], [0], [0], [1], [0, 0, 1, 1], [], []>, transpose_lhs_hint = false} : vector<640x4000xbf16>, vector<4000x64xbf16>, vector<640x64xf32> -> vector<640x64xf32>
      %add3A_77 = arith.addf %dot_general3A_74, %dot_general3A_76 : vector<640x64xf32>
      %add3A_78 = arith.addf %get3A_68, %add3A_77 : vector<640x64xf32>
      %swap3A_79 = arith.constant 0 : index
      %swap3A_80 = arith.constant 0 : index
      %swap3A_81 = vector.load %arg15[%swap3A_79, %swap3A_80] : memref<640x64xf32, #tpu.memory_space<vmem>>, vector<640x64xf32>
      tpu.vector_store %arg15[%swap3A_79, %swap3A_80], %add3A_78 {strides = array<i32>} : memref<640x64xf32, #tpu.memory_space<vmem>>, vector<640x64xf32>,
    } else {
    }
    %eq3A_44 = arith.constant 24 : i32
    %eq3A_45 = arith.cmpi eq, %arg0, %eq3A_44 : i32
    %convert_element_type3A_46 = arith.extui %eq3A_45 : i1 to i32
    %cond3A_47 = arith.constant 0 : i32
    %cond3A_48 = arith.cmpi ne, %convert_element_type3A_46, %cond3A_47 : i32
    scf.if %cond3A_48 {
      %get3A_49 = arith.constant 0 : index
      %get3A_50 = arith.constant 0 : index
      %get3A_51 = vector.load %arg15[%get3A_49, %get3A_50] : memref<640x64xf32, #tpu.memory_space<vmem>>, vector<512x64xf32>
      %swap3A = arith.constant 0 : index
      %swap3A_52 = arith.constant 0 : index
      %swap3A_53 = vector.load %arg12[%swap3A, %swap3A_52] : memref<512x64xf32, #tpu.memory_space<vmem>>, vector<512x64xf32>
      tpu.vector_store %arg12[%swap3A, %swap3A_52], %get3A_51 {strides = array<i32>} : memref<512x64xf32, #tpu.memory_space<vmem>>, vector<512x64xf32>,
      %get3A_54 = arith.constant 0 : index
      %get3A_55 = arith.constant 64 : index
      %get3A_56 = vector.load %arg4[%get3A_54, %get3A_55] : memref<512x65xf32, #tpu.memory_space<vmem>>, vector<512x1xf32>
      %jit3A = arith.constant 1.000000e+00 : f32
      %max3A_57 = vector.broadcast %jit3A : f32 to vector<512x1xf32>
      %max3A_58 = arith.maximumf %max3A_57, %get3A_56 : vector<512x1xf32>
      %div3A = vector.broadcast %max3A_58 : vector<512x1xf32> to vector<512x64xf32>
      %div3A_59 = arith.divf %get3A_51, %div3A : vector<512x64xf32>
      %get3A_60 = arith.constant 0 : index
      %get3A_61 = arith.constant 0 : index
      %get3A_62 = vector.load %arg10[%get3A_60, %get3A_61] : memref<64x128xf32, #tpu.memory_space<vmem>>, vector<64x128xf32>
      %dot_general3A_63 = arith.constant dense<0.000000e+00> : vector<512x128xf32>
      %dot_general3A_64 = tpu.matmul %div3A_59, %get3A_62, %dot_general3A_63 {dimension_numbers = #tpu.dot_dimension_numbers<[1], [0], [0], [1], [0, 0, 1, 1], [], []>, precision = #tpu.contract_precision<fp32>, transpose_lhs_hint = false} : vector<512x64xf32>, vector<64x128xf32>, vector<512x128xf32> -> vector<512x128xf32>
      %swap3A_65 = arith.constant 0 : index
      %swap3A_66 = arith.constant 0 : index
      %swap3A_67 = vector.load %arg13[%swap3A_65, %swap3A_66] : memref<512x128xf32, #tpu.memory_space<vmem>>, vector<512x128xf32>
      tpu.vector_store %arg13[%swap3A_65, %swap3A_66], %dot_general3A_64 {strides = array<i32>} : memref<512x128xf32, #tpu.memory_space<vmem>>, vector<512x128xf32>,
    } else {
    }
    return
  }
  func.func @transform_0(%arg0: i32) -> (i32, i32) {
    %c0_i32 = arith.constant 0 : i32
    %c0_i32_0 = arith.constant 0 : i32
    %c0_i32_1 = arith.constant 0 : i32
    return %c0_i32, %c0_i32_0 : i32, i32
  }
  func.func @transform_1(%arg0: i32) -> (i32, i32) {
    %c0_i32 = arith.constant 0 : i32
    %c0_i32_0 = arith.constant 0 : i32
    return %arg0, %c0_i32 : i32, i32
  }
  func.func @transform_2(%arg0: i32) -> (i32, i32, i32) {
    %c0_i32 = arith.constant 0 : i32
    %c0_i32_0 = arith.constant 0 : i32
    %c0_i32_1 = arith.constant 0 : i32
    return %arg0, %c0_i32, %c0_i32_0 : i32, i32, i32
  }
  func.func @transform_3(%arg0: i32) -> (i32, i32) {
    %c0_i32 = arith.constant 0 : i32
    %c0_i32_0 = arith.constant 0 : i32
    %c0_i32_1 = arith.constant 0 : i32
    return %c0_i32, %c0_i32_0 : i32, i32
  }
  func.func @transform_4(%arg0: i32) -> (i32, i32) {
    %c0_i32 = arith.constant 0 : i32
    %c0_i32_0 = arith.constant 0 : i32
    %c0_i32_1 = arith.constant 0 : i32
    return %c0_i32, %c0_i32_0 : i32, i32
  }
  func.func @transform_5(%arg0: i32) -> (i32, i32) {
    %c0_i32 = arith.constant 0 : i32
    %c0_i32_0 = arith.constant 0 : i32
    %c0_i32_1 = arith.constant 0 : i32
    return %c0_i32, %c0_i32_0 : i32, i32
  }
  func.func @transform_6(%arg0: i32) -> (i32, i32) {
    %c0_i32 = arith.constant 0 : i32
    %c0_i32_0 = arith.constant 0 : i32
    %c0_i32_1 = arith.constant 0 : i32
    return %c0_i32, %c0_i32_0 : i32, i32
  }
  func.func @transform_7(%arg0: i32) -> (i32, i32) {
    %c0_i32 = arith.constant 0 : i32
    %c0_i32_0 = arith.constant 0 : i32
    %c0_i32_1 = arith.constant 0 : i32
    return %c0_i32, %c0_i32_0 : i32, i32
  }
  func.func @transform_8(%arg0: i32) -> (i32, i32) {
    %c0_i32 = arith.constant 0 : i32
    %c0_i32_0 = arith.constant 0 : i32
    %c0_i32_1 = arith.constant 0 : i32
    return %c0_i32, %c0_i32_0 : i32, i32
  }
  func.func @transform_9(%arg0: i32) -> (i32, i32) {
    %c0_i32 = arith.constant 0 : i32
    %c0_i32_0 = arith.constant 0 : i32
    %c0_i32_1 = arith.constant 0 : i32
    return %c0_i32, %c0_i32_0 : i32, i32
  }
  func.func @transform_10(%arg0: i32) -> (i32, i32) {
    %c0_i32 = arith.constant 0 : i32
    %c0_i32_0 = arith.constant 0 : i32
    return %arg0, %c0_i32 : i32, i32
  }
  func.func @transform_11(%arg0: i32) -> (i32, i32) {
    %c0_i32 = arith.constant 0 : i32
    %c0_i32_0 = arith.constant 0 : i32
    %c0_i32_1 = arith.constant 0 : i32
    return %c0_i32, %c0_i32_0 : i32, i32
  }
  func.func @transform_12(%arg0: i32) -> (i32, i32) {
    %c0_i32 = arith.constant 0 : i32
    %c0_i32_0 = arith.constant 0 : i32
    %c0_i32_1 = arith.constant 0 : i32
    return %c0_i32, %c0_i32_0 : i32, i32
  }
}

module attributes {stable_mosaic.version = 14 : i64} {
  func.func @_pass_a(%arg0: i32, %arg1: memref<25x2xi32, #tpu.memory_space<smem>>, %arg2: memref<4000x16xf32, #tpu.memory_space<vmem>>, %arg3: memref<1x1x4000xi32, #tpu.memory_space<vmem>>, %arg4: memref<16x64xf32, #tpu.memory_space<vmem>>, %arg5: memref<1x64xf32, #tpu.memory_space<vmem>>, %arg6: memref<512x65xf32, #tpu.memory_space<vmem>>, %arg7: memref<640x65xf32, #tpu.memory_space<vmem>>) attributes {dimension_semantics = [#tpu.dimension_semantics<arbitrary>], iteration_bounds = array<i64: 25>, scalar_prefetch = 0 : i64, scratch_operands = 1 : i64, tpu.core_type = #tpu.core_type<tc>, window_params = [{transform_indices = @transform_0, window_bounds = array<i64: 25, 2>}, {transform_indices = @transform_1, window_bounds = array<i64: 4000, 16>}, {transform_indices = @transform_2, window_bounds = array<i64: 1, 1, 4000>}, {pipeline_mode = #tpu.pipeline_mode<synchronous>, transform_indices = @transform_3, window_bounds = array<i64: 16, 64>}, {pipeline_mode = #tpu.pipeline_mode<synchronous>, transform_indices = @transform_4, window_bounds = array<i64: 1, 64>}, {pipeline_mode = #tpu.pipeline_mode<synchronous>, transform_indices = @transform_5, window_bounds = array<i64: 512, 65>}]} {
    %eq3A = arith.constant 0 : i32
    %eq3A_0 = arith.cmpi eq, %arg0, %eq3A : i32
    %convert_element_type3A = arith.extui %eq3A_0 : i1 to i32
    %cond3A = arith.constant 0 : i32
    %cond3A_1 = arith.cmpi ne, %convert_element_type3A, %cond3A : i32
    scf.if %cond3A_1 {
      %broadcast_in_dim3A_40 = arith.constant 0.000000e+00 : f32
      %broadcast_in_dim3A_41 = vector.broadcast %broadcast_in_dim3A_40 : f32 to vector<640x65xf32>
      %swap3A = arith.constant 0 : index
      %swap3A_42 = arith.constant 0 : index
      %swap3A_43 = vector.load %arg7[%swap3A, %swap3A_42] : memref<640x65xf32, #tpu.memory_space<vmem>>, vector<640x65xf32>
      tpu.vector_store %arg7[%swap3A, %swap3A_42], %broadcast_in_dim3A_41 {strides = array<i32>} : memref<640x65xf32, #tpu.memory_space<vmem>>, vector<640x65xf32>,
    } else {
    }
    %get3A = arith.constant 0 : index
    %get3A_2 = arith.constant 0 : index
    %get3A_3 = vector.load %arg2[%get3A, %get3A_2] : memref<4000x16xf32, #tpu.memory_space<vmem>>, vector<4000x16xf32>
    %get3A_4 = arith.constant 0 : index
    %get3A_5 = arith.constant 0 : index
    %get3A_6 = vector.load %arg4[%get3A_4, %get3A_5] : memref<16x64xf32, #tpu.memory_space<vmem>>, vector<16x64xf32>
    %dot_general3A = arith.constant dense<0.000000e+00> : vector<4000x64xf32>
    %dot_general3A_7 = tpu.matmul %get3A_3, %get3A_6, %dot_general3A {dimension_numbers = #tpu.dot_dimension_numbers<[1], [0], [0], [1], [0, 0, 1, 1], [], []>, precision = #tpu.contract_precision<fp32>, transpose_lhs_hint = false} : vector<4000x16xf32>, vector<16x64xf32>, vector<4000x64xf32> -> vector<4000x64xf32>
    %get3A_8 = arith.constant 0 : index
    %get3A_9 = arith.constant 0 : index
    %get3A_10 = vector.load %arg5[%get3A_8, %get3A_9] : memref<1x64xf32, #tpu.memory_space<vmem>>, vector<1x64xf32>
    %add3A = vector.broadcast %get3A_10 : vector<1x64xf32> to vector<4000x64xf32>
    %add3A_11 = arith.addf %dot_general3A_7, %add3A : vector<4000x64xf32>
    %max3A = arith.constant 0.000000e+00 : f32
    %max3A_12 = vector.broadcast %max3A : f32 to vector<4000x64xf32>
    %max3A_13 = arith.maximumf %add3A_11, %max3A_12 : vector<4000x64xf32>
    %broadcast_in_dim3A = arith.constant 1.000000e+00 : f32
    %broadcast_in_dim3A_14 = vector.broadcast %broadcast_in_dim3A : f32 to vector<4000x1xf32>
    %concatenate3A = tpu.concatenate %max3A_13, %broadcast_in_dim3A_14 in 1 : vector<4000x64xf32>, vector<4000x1xf32> -> vector<4000x65xf32>
    %get3A_15 = arith.constant 0 : index
    %get3A_16 = arith.constant 0 : index
    %get3A_17 = arith.constant 0 : index
    %get3A_18 = vector.load %arg3[%get3A_15, %get3A_16, %get3A_17] : memref<1x1x4000xi32, #tpu.memory_space<vmem>>, vector<1x1x4000xi32>
    %get3A_19 = vector.shape_cast %get3A_18 : vector<1x1x4000xi32> to vector<1x4000xi32>
    %get3A_20 = arith.index_cast %arg0 : i32 to index
    %get3A_21 = arith.constant 0 : index
    %get3A_22 = memref.load %arg1[%get3A_20, %get3A_21] : memref<25x2xi32, #tpu.memory_space<smem>>
    %mul3A = arith.constant 16 : i32
    %mul3A_23 = arith.muli %get3A_22, %mul3A : i32
    %get3A_24 = arith.index_cast %arg0 : i32 to index
    %get3A_25 = arith.constant 1 : index
    %get3A_26 = memref.load %arg1[%get3A_24, %get3A_25] : memref<25x2xi32, #tpu.memory_space<smem>>
    %sub3A = arith.subi %get3A_26, %mul3A_23 : i32
    %lt3A = arith.constant 128 : i32
    %lt3A_27 = arith.cmpi slt, %sub3A, %lt3A : i32
    %convert_element_type3A_28 = arith.extui %lt3A_27 : i1 to i32
    %cond3A_29 = arith.constant 0 : i32
    %cond3A_30 = arith.cmpi ne, %convert_element_type3A_28, %cond3A_29 : i32
    scf.if %cond3A_30 {
      %iota3A = tpu.iota {dimensions = array<i32: 0>} : vector<128x4000xi32>
      %sub3A_40 = vector.broadcast %mul3A_23 : i32 to vector<1x4000xi32>
      %sub3A_41 = arith.subi %get3A_19, %sub3A_40 : vector<1x4000xi32>
      %eq3A_42 = vector.broadcast %sub3A_41 : vector<1x4000xi32> to vector<128x4000xi32>
      %eq3A_43 = arith.cmpi eq, %iota3A, %eq3A_42 : vector<128x4000xi32>
      %convert_element_type3A_44 = arith.extui %eq3A_43 : vector<128x4000xi1> to vector<128x4000xi32>
      %convert_element_type3A_45 = arith.sitofp %convert_element_type3A_44 : vector<128x4000xi32> to vector<128x4000xf32>
      %convert_element_type3A_46 = arith.truncf %convert_element_type3A_45 : vector<128x4000xf32> to vector<128x4000xbf16>
      %get3A_47 = arith.index_cast %mul3A_23 : i32 to index
      %get3A_48 = arith.constant 0 : index
      %get3A_49 = vector.load %arg7[%get3A_47, %get3A_48] : memref<640x65xf32, #tpu.memory_space<vmem>>, vector<128x65xf32>
      %convert_element_type3A_50 = arith.truncf %concatenate3A : vector<4000x65xf32> to vector<4000x65xbf16>
      %convert_element_type3A_51 = arith.extf %convert_element_type3A_50 : vector<4000x65xbf16> to vector<4000x65xf32>
      %sub3A_52 = arith.subf %concatenate3A, %convert_element_type3A_51 : vector<4000x65xf32>
      %convert_element_type3A_53 = arith.truncf %sub3A_52 : vector<4000x65xf32> to vector<4000x65xbf16>
      %dot_general3A_54 = arith.constant dense<0.000000e+00> : vector<128x65xf32>
      %dot_general3A_55 = tpu.matmul %convert_element_type3A_46, %convert_element_type3A_50, %dot_general3A_54 {dimension_numbers = #tpu.dot_dimension_numbers<[1], [0], [0], [1], [0, 0, 1, 1], [], []>, transpose_lhs_hint = false} : vector<128x4000xbf16>, vector<4000x65xbf16>, vector<128x65xf32> -> vector<128x65xf32>
      %dot_general3A_56 = arith.constant dense<0.000000e+00> : vector<128x65xf32>
      %dot_general3A_57 = tpu.matmul %convert_element_type3A_46, %convert_element_type3A_53, %dot_general3A_56 {dimension_numbers = #tpu.dot_dimension_numbers<[1], [0], [0], [1], [0, 0, 1, 1], [], []>, transpose_lhs_hint = false} : vector<128x4000xbf16>, vector<4000x65xbf16>, vector<128x65xf32> -> vector<128x65xf32>
      %add3A_58 = arith.addf %dot_general3A_55, %dot_general3A_57 : vector<128x65xf32>
      %add3A_59 = arith.addf %get3A_49, %add3A_58 : vector<128x65xf32>
      %swap3A = arith.index_cast %mul3A_23 : i32 to index
      %swap3A_60 = arith.constant 0 : index
      %swap3A_61 = vector.load %arg7[%swap3A, %swap3A_60] : memref<640x65xf32, #tpu.memory_space<vmem>>, vector<128x65xf32>
      tpu.vector_store %arg7[%swap3A, %swap3A_60], %add3A_59 {strides = array<i32>} : memref<640x65xf32, #tpu.memory_space<vmem>>, vector<128x65xf32>,
    } else {
    }
    %ge3A = arith.constant 128 : i32
    %ge3A_31 = arith.cmpi sge, %sub3A, %ge3A : i32
    %convert_element_type3A_32 = arith.extui %ge3A_31 : i1 to i32
    %cond3A_33 = arith.constant 0 : i32
    %cond3A_34 = arith.cmpi ne, %convert_element_type3A_32, %cond3A_33 : i32
    scf.if %cond3A_34 {
      %iota3A = tpu.iota {dimensions = array<i32: 0>} : vector<640x4000xi32>
      %eq3A_40 = vector.broadcast %get3A_19 : vector<1x4000xi32> to vector<640x4000xi32>
      %eq3A_41 = arith.cmpi eq, %iota3A, %eq3A_40 : vector<640x4000xi32>
      %convert_element_type3A_42 = arith.extui %eq3A_41 : vector<640x4000xi1> to vector<640x4000xi32>
      %convert_element_type3A_43 = arith.sitofp %convert_element_type3A_42 : vector<640x4000xi32> to vector<640x4000xf32>
      %convert_element_type3A_44 = arith.truncf %convert_element_type3A_43 : vector<640x4000xf32> to vector<640x4000xbf16>
      %get3A_45 = arith.constant 0 : index
      %get3A_46 = arith.constant 0 : index
      %get3A_47 = vector.load %arg7[%get3A_45, %get3A_46] : memref<640x65xf32, #tpu.memory_space<vmem>>, vector<640x65xf32>
      %convert_element_type3A_48 = arith.truncf %concatenate3A : vector<4000x65xf32> to vector<4000x65xbf16>
      %convert_element_type3A_49 = arith.extf %convert_element_type3A_48 : vector<4000x65xbf16> to vector<4000x65xf32>
      %sub3A_50 = arith.subf %concatenate3A, %convert_element_type3A_49 : vector<4000x65xf32>
      %convert_element_type3A_51 = arith.truncf %sub3A_50 : vector<4000x65xf32> to vector<4000x65xbf16>
      %dot_general3A_52 = arith.constant dense<0.000000e+00> : vector<640x65xf32>
      %dot_general3A_53 = tpu.matmul %convert_element_type3A_44, %convert_element_type3A_48, %dot_general3A_52 {dimension_numbers = #tpu.dot_dimension_numbers<[1], [0], [0], [1], [0, 0, 1, 1], [], []>, transpose_lhs_hint = false} : vector<640x4000xbf16>, vector<4000x65xbf16>, vector<640x65xf32> -> vector<640x65xf32>
      %dot_general3A_54 = arith.constant dense<0.000000e+00> : vector<640x65xf32>
      %dot_general3A_55 = tpu.matmul %convert_element_type3A_44, %convert_element_type3A_51, %dot_general3A_54 {dimension_numbers = #tpu.dot_dimension_numbers<[1], [0], [0], [1], [0, 0, 1, 1], [], []>, transpose_lhs_hint = false} : vector<640x4000xbf16>, vector<4000x65xbf16>, vector<640x65xf32> -> vector<640x65xf32>
      %add3A_56 = arith.addf %dot_general3A_53, %dot_general3A_55 : vector<640x65xf32>
      %add3A_57 = arith.addf %get3A_47, %add3A_56 : vector<640x65xf32>
      %swap3A = arith.constant 0 : index
      %swap3A_58 = arith.constant 0 : index
      %swap3A_59 = vector.load %arg7[%swap3A, %swap3A_58] : memref<640x65xf32, #tpu.memory_space<vmem>>, vector<640x65xf32>
      tpu.vector_store %arg7[%swap3A, %swap3A_58], %add3A_57 {strides = array<i32>} : memref<640x65xf32, #tpu.memory_space<vmem>>, vector<640x65xf32>,
    } else {
    }
    %eq3A_35 = arith.constant 24 : i32
    %eq3A_36 = arith.cmpi eq, %arg0, %eq3A_35 : i32
    %convert_element_type3A_37 = arith.extui %eq3A_36 : i1 to i32
    %cond3A_38 = arith.constant 0 : i32
    %cond3A_39 = arith.cmpi ne, %convert_element_type3A_37, %cond3A_38 : i32
    scf.if %cond3A_39 {
      %get3A_40 = arith.constant 0 : index
      %get3A_41 = arith.constant 0 : index
      %get3A_42 = vector.load %arg7[%get3A_40, %get3A_41] : memref<640x65xf32, #tpu.memory_space<vmem>>, vector<512x65xf32>
      %swap3A = arith.constant 0 : index
      %swap3A_43 = arith.constant 0 : index
      %swap3A_44 = vector.load %arg6[%swap3A, %swap3A_43] : memref<512x65xf32, #tpu.memory_space<vmem>>, vector<512x65xf32>
      tpu.vector_store %arg6[%swap3A, %swap3A_43], %get3A_42 {strides = array<i32>} : memref<512x65xf32, #tpu.memory_space<vmem>>, vector<512x65xf32>,
    } else {
    }
    return
  }
  func.func @transform_0(%arg0: i32) -> (i32, i32) {
    %c0_i32 = arith.constant 0 : i32
    %c0_i32_0 = arith.constant 0 : i32
    %c0_i32_1 = arith.constant 0 : i32
    return %c0_i32, %c0_i32_0 : i32, i32
  }
  func.func @transform_1(%arg0: i32) -> (i32, i32) {
    %c0_i32 = arith.constant 0 : i32
    %c0_i32_0 = arith.constant 0 : i32
    return %arg0, %c0_i32 : i32, i32
  }
  func.func @transform_2(%arg0: i32) -> (i32, i32, i32) {
    %c0_i32 = arith.constant 0 : i32
    %c0_i32_0 = arith.constant 0 : i32
    %c0_i32_1 = arith.constant 0 : i32
    return %arg0, %c0_i32, %c0_i32_0 : i32, i32, i32
  }
  func.func @transform_3(%arg0: i32) -> (i32, i32) {
    %c0_i32 = arith.constant 0 : i32
    %c0_i32_0 = arith.constant 0 : i32
    %c0_i32_1 = arith.constant 0 : i32
    return %c0_i32, %c0_i32_0 : i32, i32
  }
  func.func @transform_4(%arg0: i32) -> (i32, i32) {
    %c0_i32 = arith.constant 0 : i32
    %c0_i32_0 = arith.constant 0 : i32
    %c0_i32_1 = arith.constant 0 : i32
    return %c0_i32, %c0_i32_0 : i32, i32
  }
  func.func @transform_5(%arg0: i32) -> (i32, i32) {
    %c0_i32 = arith.constant 0 : i32
    %c0_i32_0 = arith.constant 0 : i32
    %c0_i32_1 = arith.constant 0 : i32
    return %c0_i32, %c0_i32_0 : i32, i32
  }
}

module attributes {stable_mosaic.version = 14 : i64} {
  func.func @_pass_c(%arg0: i32, %arg1: memref<25x2xi32, #tpu.memory_space<smem>>, %arg2: memref<4000x64xbf16, #tpu.memory_space<vmem>>, %arg3: memref<1x1x4000xi32, #tpu.memory_space<vmem>>, %arg4: memref<512x65xf32, #tpu.memory_space<vmem>>, %arg5: memref<512x64xf32, #tpu.memory_space<vmem>>, %arg6: memref<64x128xf32, #tpu.memory_space<vmem>>, %arg7: memref<1x128xf32, #tpu.memory_space<vmem>>, %arg8: memref<64x128xf32, #tpu.memory_space<vmem>>, %arg9: memref<2x128xf32, #tpu.memory_space<vmem>>, %arg10: memref<640x128xbf16, #tpu.memory_space<vmem>>) attributes {dimension_semantics = [#tpu.dimension_semantics<arbitrary>], iteration_bounds = array<i64: 25>, scalar_prefetch = 0 : i64, scratch_operands = 1 : i64, tpu.core_type = #tpu.core_type<tc>, window_params = [{transform_indices = @transform_0, window_bounds = array<i64: 25, 2>}, {transform_indices = @transform_1, window_bounds = array<i64: 4000, 64>}, {transform_indices = @transform_2, window_bounds = array<i64: 1, 1, 4000>}, {pipeline_mode = #tpu.pipeline_mode<synchronous>, transform_indices = @transform_3, window_bounds = array<i64: 512, 65>}, {pipeline_mode = #tpu.pipeline_mode<synchronous>, transform_indices = @transform_4, window_bounds = array<i64: 512, 64>}, {pipeline_mode = #tpu.pipeline_mode<synchronous>, transform_indices = @transform_5, window_bounds = array<i64: 64, 128>}, {pipeline_mode = #tpu.pipeline_mode<synchronous>, transform_indices = @transform_6, window_bounds = array<i64: 1, 128>}, {pipeline_mode = #tpu.pipeline_mode<synchronous>, transform_indices = @transform_7, window_bounds = array<i64: 64, 128>}, {pipeline_mode = #tpu.pipeline_mode<synchronous>, transform_indices = @transform_8, window_bounds = array<i64: 2, 128>}]} {
    %eq3A = arith.constant 0 : i32
    %eq3A_0 = arith.cmpi eq, %arg0, %eq3A : i32
    %convert_element_type3A = arith.extui %eq3A_0 : i1 to i32
    %cond3A = arith.constant 0 : i32
    %cond3A_1 = arith.cmpi ne, %convert_element_type3A, %cond3A : i32
    scf.if %cond3A_1 {
      %get3A_39 = arith.constant 0 : index
      %get3A_40 = arith.constant 64 : index
      %get3A_41 = vector.load %arg4[%get3A_39, %get3A_40] : memref<512x65xf32, #tpu.memory_space<vmem>>, vector<512x1xf32>
      %jit3A = arith.constant 1.000000e+00 : f32
      %max3A = vector.broadcast %jit3A : f32 to vector<512x1xf32>
      %max3A_42 = arith.maximumf %max3A, %get3A_41 : vector<512x1xf32>
      %broadcast_in_dim3A = arith.constant 0.000000e+00 : bf16
      %broadcast_in_dim3A_43 = vector.broadcast %broadcast_in_dim3A : bf16 to vector<640x128xbf16>
      %swap3A = arith.constant 0 : index
      %swap3A_44 = arith.constant 0 : index
      %swap3A_45 = vector.load %arg10[%swap3A, %swap3A_44] : memref<640x128xbf16, #tpu.memory_space<vmem>>, vector<640x128xbf16>
      tpu.vector_store %arg10[%swap3A, %swap3A_44], %broadcast_in_dim3A_43 {strides = array<i32>} : memref<640x128xbf16, #tpu.memory_space<vmem>>, vector<640x128xbf16>,
      %get3A_46 = arith.constant 0 : index
      %get3A_47 = arith.constant 0 : index
      %get3A_48 = vector.load %arg5[%get3A_46, %get3A_47] : memref<512x64xf32, #tpu.memory_space<vmem>>, vector<512x64xf32>
      %div3A = vector.broadcast %max3A_42 : vector<512x1xf32> to vector<512x64xf32>
      %div3A_49 = arith.divf %get3A_48, %div3A : vector<512x64xf32>
      %get3A_50 = arith.constant 0 : index
      %get3A_51 = arith.constant 0 : index
      %get3A_52 = vector.load %arg8[%get3A_50, %get3A_51] : memref<64x128xf32, #tpu.memory_space<vmem>>, vector<64x128xf32>
      %dot_general3A_53 = arith.constant dense<0.000000e+00> : vector<512x128xf32>
      %dot_general3A_54 = tpu.matmul %div3A_49, %get3A_52, %dot_general3A_53 {dimension_numbers = #tpu.dot_dimension_numbers<[1], [0], [0], [1], [0, 0, 1, 1], [], []>, precision = #tpu.contract_precision<fp32>, transpose_lhs_hint = false} : vector<512x64xf32>, vector<64x128xf32>, vector<512x128xf32> -> vector<512x128xf32>
      %convert_element_type3A_55 = arith.truncf %dot_general3A_54 : vector<512x128xf32> to vector<512x128xbf16>
      %swap3A_56 = arith.constant 0 : index
      %swap3A_57 = arith.constant 0 : index
      %swap3A_58 = vector.load %arg10[%swap3A_56, %swap3A_57] : memref<640x128xbf16, #tpu.memory_space<vmem>>, vector<512x128xbf16>
      tpu.vector_store %arg10[%swap3A_56, %swap3A_57], %convert_element_type3A_55 {strides = array<i32>} : memref<640x128xbf16, #tpu.memory_space<vmem>>, vector<512x128xbf16>,
      %broadcast_in_dim3A_59 = arith.constant 0.000000e+00 : f32
      %broadcast_in_dim3A_60 = vector.broadcast %broadcast_in_dim3A_59 : f32 to vector<2x128xf32>
      %swap3A_61 = arith.constant 0 : index
      %swap3A_62 = arith.constant 0 : index
      %swap3A_63 = vector.load %arg9[%swap3A_61, %swap3A_62] : memref<2x128xf32, #tpu.memory_space<vmem>>, vector<2x128xf32>
      tpu.vector_store %arg9[%swap3A_61, %swap3A_62], %broadcast_in_dim3A_60 {strides = array<i32>} : memref<2x128xf32, #tpu.memory_space<vmem>>, vector<2x128xf32>,
    } else {
    }
    %get3A = arith.constant 0 : index
    %get3A_2 = arith.constant 0 : index
    %get3A_3 = vector.load %arg2[%get3A, %get3A_2] : memref<4000x64xbf16, #tpu.memory_space<vmem>>, vector<4000x64xbf16>
    %get3A_4 = arith.constant 0 : index
    %get3A_5 = arith.constant 0 : index
    %get3A_6 = vector.load %arg6[%get3A_4, %get3A_5] : memref<64x128xf32, #tpu.memory_space<vmem>>, vector<64x128xf32>
    %convert_element_type3A_7 = arith.truncf %get3A_6 : vector<64x128xf32> to vector<64x128xbf16>
    %convert_element_type3A_8 = arith.extf %convert_element_type3A_7 : vector<64x128xbf16> to vector<64x128xf32>
    %sub3A = arith.subf %get3A_6, %convert_element_type3A_8 : vector<64x128xf32>
    %convert_element_type3A_9 = arith.truncf %sub3A : vector<64x128xf32> to vector<64x128xbf16>
    %dot_general3A = arith.constant dense<0.000000e+00> : vector<4000x128xf32>
    %dot_general3A_10 = tpu.matmul %get3A_3, %convert_element_type3A_7, %dot_general3A {dimension_numbers = #tpu.dot_dimension_numbers<[1], [0], [0], [1], [0, 0, 1, 1], [], []>, transpose_lhs_hint = false} : vector<4000x64xbf16>, vector<64x128xbf16>, vector<4000x128xf32> -> vector<4000x128xf32>
    %dot_general3A_11 = arith.constant dense<0.000000e+00> : vector<4000x128xf32>
    %dot_general3A_12 = tpu.matmul %get3A_3, %convert_element_type3A_9, %dot_general3A_11 {dimension_numbers = #tpu.dot_dimension_numbers<[1], [0], [0], [1], [0, 0, 1, 1], [], []>, transpose_lhs_hint = false} : vector<4000x64xbf16>, vector<64x128xbf16>, vector<4000x128xf32> -> vector<4000x128xf32>
    %add3A = arith.addf %dot_general3A_10, %dot_general3A_12 : vector<4000x128xf32>
    %get3A_13 = arith.constant 0 : index
    %get3A_14 = arith.constant 0 : index
    %get3A_15 = vector.load %arg7[%get3A_13, %get3A_14] : memref<1x128xf32, #tpu.memory_space<vmem>>, vector<1x128xf32>
    %add3A_16 = vector.broadcast %get3A_15 : vector<1x128xf32> to vector<4000x128xf32>
    %add3A_17 = arith.addf %add3A, %add3A_16 : vector<4000x128xf32>
    %get3A_18 = arith.constant 0 : index
    %get3A_19 = arith.constant 0 : index
    %get3A_20 = arith.constant 0 : index
    %get3A_21 = vector.load %arg3[%get3A_18, %get3A_19, %get3A_20] : memref<1x1x4000xi32, #tpu.memory_space<vmem>>, vector<1x1x4000xi32>
    %get3A_22 = vector.shape_cast %get3A_21 : vector<1x1x4000xi32> to vector<1x4000xi32>
    %get3A_23 = arith.index_cast %arg0 : i32 to index
    %get3A_24 = arith.constant 0 : index
    %get3A_25 = memref.load %arg1[%get3A_23, %get3A_24] : memref<25x2xi32, #tpu.memory_space<smem>>
    %mul3A = arith.constant 16 : i32
    %mul3A_26 = arith.muli %get3A_25, %mul3A : i32
    %get3A_27 = arith.index_cast %arg0 : i32 to index
    %get3A_28 = arith.constant 1 : index
    %get3A_29 = memref.load %arg1[%get3A_27, %get3A_28] : memref<25x2xi32, #tpu.memory_space<smem>>
    %sub3A_30 = arith.subi %get3A_29, %mul3A_26 : i32
    %lt3A = arith.constant 128 : i32
    %lt3A_31 = arith.cmpi slt, %sub3A_30, %lt3A : i32
    %convert_element_type3A_32 = arith.extui %lt3A_31 : i1 to i32
    %cond3A_33 = arith.constant 0 : i32
    %cond3A_34 = arith.cmpi ne, %convert_element_type3A_32, %cond3A_33 : i32
    scf.if %cond3A_34 {
      %iota3A = tpu.iota {dimensions = array<i32: 0>} : vector<128x4000xi32>
      %sub3A_39 = vector.broadcast %mul3A_26 : i32 to vector<1x4000xi32>
      %sub3A_40 = arith.subi %get3A_22, %sub3A_39 : vector<1x4000xi32>
      %eq3A_41 = vector.broadcast %sub3A_40 : vector<1x4000xi32> to vector<128x4000xi32>
      %eq3A_42 = arith.cmpi eq, %iota3A, %eq3A_41 : vector<128x4000xi32>
      %convert_element_type3A_43 = arith.extui %eq3A_42 : vector<128x4000xi1> to vector<128x4000xi32>
      %convert_element_type3A_44 = arith.sitofp %convert_element_type3A_43 : vector<128x4000xi32> to vector<128x4000xf32>
      %convert_element_type3A_45 = arith.truncf %convert_element_type3A_44 : vector<128x4000xf32> to vector<128x4000xbf16>
      %get3A_46 = arith.index_cast %mul3A_26 : i32 to index
      %get3A_47 = arith.constant 0 : index
      %get3A_48 = vector.load %arg10[%get3A_46, %get3A_47] : memref<640x128xbf16, #tpu.memory_space<vmem>>, vector<128x128xbf16>
      %dot_general3A_49 = arith.constant dense<0.000000e+00> : vector<4000x128xf32>
      %dot_general3A_50 = tpu.matmul %convert_element_type3A_45, %get3A_48, %dot_general3A_49 {dimension_numbers = #tpu.dot_dimension_numbers<[0], [0], [1], [1], [0, 1, 1, 1], [], []>, transpose_lhs_hint = false} : vector<128x4000xbf16>, vector<128x128xbf16>, vector<4000x128xf32> -> vector<4000x128xf32>
      %sub3A_51 = arith.subf %add3A_17, %dot_general3A_50 : vector<4000x128xf32>
      %max3A = arith.constant 0.000000e+00 : f32
      %max3A_52 = vector.broadcast %max3A : f32 to vector<4000x128xf32>
      %max3A_53 = arith.maximumf %sub3A_51, %max3A_52 : vector<4000x128xf32>
      %reduce_sum3A = arith.constant dense<0.000000e+00> : vector<128xf32>
      %reduce_sum3A_54 = vector.multi_reduction <add>, %max3A_53, %reduce_sum3A [0] : vector<4000x128xf32> to vector<128xf32>
      %broadcast_in_dim3A = vector.shape_cast %reduce_sum3A_54 : vector<128xf32> to vector<1x128xf32>
      %mul3A_55 = arith.mulf %max3A_53, %max3A_53 : vector<4000x128xf32>
      %reduce_sum3A_56 = arith.constant dense<0.000000e+00> : vector<128xf32>
      %reduce_sum3A_57 = vector.multi_reduction <add>, %mul3A_55, %reduce_sum3A_56 [0] : vector<4000x128xf32> to vector<128xf32>
      %broadcast_in_dim3A_58 = vector.shape_cast %reduce_sum3A_57 : vector<128xf32> to vector<1x128xf32>
      %get3A_59 = arith.constant 0 : index
      %get3A_60 = arith.constant 0 : index
      %get3A_61 = vector.load %arg9[%get3A_59, %get3A_60] : memref<2x128xf32, #tpu.memory_space<vmem>>, vector<2x128xf32>
      %concatenate3A = tpu.concatenate %broadcast_in_dim3A, %broadcast_in_dim3A_58 in 0 : vector<1x128xf32>, vector<1x128xf32> -> vector<2x128xf32>
      %add3A_62 = arith.addf %get3A_61, %concatenate3A : vector<2x128xf32>
      %swap3A = arith.constant 0 : index
      %swap3A_63 = arith.constant 0 : index
      %swap3A_64 = vector.load %arg9[%swap3A, %swap3A_63] : memref<2x128xf32, #tpu.memory_space<vmem>>, vector<2x128xf32>
      tpu.vector_store %arg9[%swap3A, %swap3A_63], %add3A_62 {strides = array<i32>} : memref<2x128xf32, #tpu.memory_space<vmem>>, vector<2x128xf32>,
    } else {
    }
    %ge3A = arith.constant 128 : i32
    %ge3A_35 = arith.cmpi sge, %sub3A_30, %ge3A : i32
    %convert_element_type3A_36 = arith.extui %ge3A_35 : i1 to i32
    %cond3A_37 = arith.constant 0 : i32
    %cond3A_38 = arith.cmpi ne, %convert_element_type3A_36, %cond3A_37 : i32
    scf.if %cond3A_38 {
      %iota3A = tpu.iota {dimensions = array<i32: 0>} : vector<640x4000xi32>
      %eq3A_39 = vector.broadcast %get3A_22 : vector<1x4000xi32> to vector<640x4000xi32>
      %eq3A_40 = arith.cmpi eq, %iota3A, %eq3A_39 : vector<640x4000xi32>
      %convert_element_type3A_41 = arith.extui %eq3A_40 : vector<640x4000xi1> to vector<640x4000xi32>
      %convert_element_type3A_42 = arith.sitofp %convert_element_type3A_41 : vector<640x4000xi32> to vector<640x4000xf32>
      %convert_element_type3A_43 = arith.truncf %convert_element_type3A_42 : vector<640x4000xf32> to vector<640x4000xbf16>
      %get3A_44 = arith.constant 0 : index
      %get3A_45 = arith.constant 0 : index
      %get3A_46 = vector.load %arg10[%get3A_44, %get3A_45] : memref<640x128xbf16, #tpu.memory_space<vmem>>, vector<640x128xbf16>
      %dot_general3A_47 = arith.constant dense<0.000000e+00> : vector<4000x128xf32>
      %dot_general3A_48 = tpu.matmul %convert_element_type3A_43, %get3A_46, %dot_general3A_47 {dimension_numbers = #tpu.dot_dimension_numbers<[0], [0], [1], [1], [0, 1, 1, 1], [], []>, transpose_lhs_hint = false} : vector<640x4000xbf16>, vector<640x128xbf16>, vector<4000x128xf32> -> vector<4000x128xf32>
      %sub3A_49 = arith.subf %add3A_17, %dot_general3A_48 : vector<4000x128xf32>
      %max3A = arith.constant 0.000000e+00 : f32
      %max3A_50 = vector.broadcast %max3A : f32 to vector<4000x128xf32>
      %max3A_51 = arith.maximumf %sub3A_49, %max3A_50 : vector<4000x128xf32>
      %reduce_sum3A = arith.constant dense<0.000000e+00> : vector<128xf32>
      %reduce_sum3A_52 = vector.multi_reduction <add>, %max3A_51, %reduce_sum3A [0] : vector<4000x128xf32> to vector<128xf32>
      %broadcast_in_dim3A = vector.shape_cast %reduce_sum3A_52 : vector<128xf32> to vector<1x128xf32>
      %mul3A_53 = arith.mulf %max3A_51, %max3A_51 : vector<4000x128xf32>
      %reduce_sum3A_54 = arith.constant dense<0.000000e+00> : vector<128xf32>
      %reduce_sum3A_55 = vector.multi_reduction <add>, %mul3A_53, %reduce_sum3A_54 [0] : vector<4000x128xf32> to vector<128xf32>
      %broadcast_in_dim3A_56 = vector.shape_cast %reduce_sum3A_55 : vector<128xf32> to vector<1x128xf32>
      %get3A_57 = arith.constant 0 : index
      %get3A_58 = arith.constant 0 : index
      %get3A_59 = vector.load %arg9[%get3A_57, %get3A_58] : memref<2x128xf32, #tpu.memory_space<vmem>>, vector<2x128xf32>
      %concatenate3A = tpu.concatenate %broadcast_in_dim3A, %broadcast_in_dim3A_56 in 0 : vector<1x128xf32>, vector<1x128xf32> -> vector<2x128xf32>
      %add3A_60 = arith.addf %get3A_59, %concatenate3A : vector<2x128xf32>
      %swap3A = arith.constant 0 : index
      %swap3A_61 = arith.constant 0 : index
      %swap3A_62 = vector.load %arg9[%swap3A, %swap3A_61] : memref<2x128xf32, #tpu.memory_space<vmem>>, vector<2x128xf32>
      tpu.vector_store %arg9[%swap3A, %swap3A_61], %add3A_60 {strides = array<i32>} : memref<2x128xf32, #tpu.memory_space<vmem>>, vector<2x128xf32>,
    } else {
    }
    return
  }
  func.func @transform_0(%arg0: i32) -> (i32, i32) {
    %c0_i32 = arith.constant 0 : i32
    %c0_i32_0 = arith.constant 0 : i32
    %c0_i32_1 = arith.constant 0 : i32
    return %c0_i32, %c0_i32_0 : i32, i32
  }
  func.func @transform_1(%arg0: i32) -> (i32, i32) {
    %c0_i32 = arith.constant 0 : i32
    %c0_i32_0 = arith.constant 0 : i32
    return %arg0, %c0_i32 : i32, i32
  }
  func.func @transform_2(%arg0: i32) -> (i32, i32, i32) {
    %c0_i32 = arith.constant 0 : i32
    %c0_i32_0 = arith.constant 0 : i32
    %c0_i32_1 = arith.constant 0 : i32
    return %arg0, %c0_i32, %c0_i32_0 : i32, i32, i32
  }
  func.func @transform_3(%arg0: i32) -> (i32, i32) {
    %c0_i32 = arith.constant 0 : i32
    %c0_i32_0 = arith.constant 0 : i32
    %c0_i32_1 = arith.constant 0 : i32
    return %c0_i32, %c0_i32_0 : i32, i32
  }
  func.func @transform_4(%arg0: i32) -> (i32, i32) {
    %c0_i32 = arith.constant 0 : i32
    %c0_i32_0 = arith.constant 0 : i32
    %c0_i32_1 = arith.constant 0 : i32
    return %c0_i32, %c0_i32_0 : i32, i32
  }
  func.func @transform_5(%arg0: i32) -> (i32, i32) {
    %c0_i32 = arith.constant 0 : i32
    %c0_i32_0 = arith.constant 0 : i32
    %c0_i32_1 = arith.constant 0 : i32
    return %c0_i32, %c0_i32_0 : i32, i32
  }
  func.func @transform_6(%arg0: i32) -> (i32, i32) {
    %c0_i32 = arith.constant 0 : i32
    %c0_i32_0 = arith.constant 0 : i32
    %c0_i32_1 = arith.constant 0 : i32
    return %c0_i32, %c0_i32_0 : i32, i32
  }
  func.func @transform_7(%arg0: i32) -> (i32, i32) {
    %c0_i32 = arith.constant 0 : i32
    %c0_i32_0 = arith.constant 0 : i32
    %c0_i32_1 = arith.constant 0 : i32
    return %c0_i32, %c0_i32_0 : i32, i32
  }
  func.func @transform_8(%arg0: i32) -> (i32, i32) {
    %c0_i32 = arith.constant 0 : i32
    %c0_i32_0 = arith.constant 0 : i32
    %c0_i32_1 = arith.constant 0 : i32
    return %c0_i32, %c0_i32_0 : i32, i32
  }
}

module attributes {stable_mosaic.version = 14 : i64} {
  func.func @_pass_d(%arg0: i32, %arg1: memref<4000x128xf32, #tpu.memory_space<vmem>>, %arg2: memref<4000x64xbf16, #tpu.memory_space<vmem>>, %arg3: memref<4000x128xf32, #tpu.memory_space<vmem>>, %arg4: memref<64x128xf32, #tpu.memory_space<vmem>>, %arg5: memref<1x128xf32, #tpu.memory_space<vmem>>, %arg6: memref<2x128xf32, #tpu.memory_space<vmem>>, %arg7: memref<1x128xf32, #tpu.memory_space<vmem>>, %arg8: memref<1x128xf32, #tpu.memory_space<vmem>>, %arg9: memref<4000x128xf32, #tpu.memory_space<vmem>>, %arg10: memref<2x128xf32, #tpu.memory_space<vmem>>) attributes {dimension_semantics = [#tpu.dimension_semantics<arbitrary>], iteration_bounds = array<i64: 25>, scalar_prefetch = 0 : i64, scratch_operands = 1 : i64, tpu.core_type = #tpu.core_type<tc>, window_params = [{transform_indices = @transform_0, window_bounds = array<i64: 4000, 128>}, {transform_indices = @transform_1, window_bounds = array<i64: 4000, 64>}, {transform_indices = @transform_2, window_bounds = array<i64: 4000, 128>}, {pipeline_mode = #tpu.pipeline_mode<synchronous>, transform_indices = @transform_3, window_bounds = array<i64: 64, 128>}, {pipeline_mode = #tpu.pipeline_mode<synchronous>, transform_indices = @transform_4, window_bounds = array<i64: 1, 128>}, {pipeline_mode = #tpu.pipeline_mode<synchronous>, transform_indices = @transform_5, window_bounds = array<i64: 2, 128>}, {pipeline_mode = #tpu.pipeline_mode<synchronous>, transform_indices = @transform_6, window_bounds = array<i64: 1, 128>}, {pipeline_mode = #tpu.pipeline_mode<synchronous>, transform_indices = @transform_7, window_bounds = array<i64: 1, 128>}, {transform_indices = @transform_8, window_bounds = array<i64: 4000, 128>}]} {
    %eq3A = arith.constant 0 : i32
    %eq3A_0 = arith.cmpi eq, %arg0, %eq3A : i32
    %convert_element_type3A = arith.extui %eq3A_0 : i1 to i32
    %cond3A = arith.constant 0 : i32
    %cond3A_1 = arith.cmpi ne, %convert_element_type3A, %cond3A : i32
    scf.if %cond3A_1 {
      %get3A_39 = arith.constant 0 : index
      %get3A_40 = arith.constant 0 : index
      %get3A_41 = vector.load %arg6[%get3A_39, %get3A_40] : memref<2x128xf32, #tpu.memory_space<vmem>>, vector<1x128xf32>
      %mul3A_42 = arith.constant 9.99999974E-6 : f32
      %mul3A_43 = vector.broadcast %mul3A_42 : f32 to vector<1x128xf32>
      %mul3A_44 = arith.mulf %get3A_41, %mul3A_43 : vector<1x128xf32>
      %get3A_45 = arith.constant 1 : index
      %get3A_46 = arith.constant 0 : index
      %get3A_47 = vector.load %arg6[%get3A_45, %get3A_46] : memref<2x128xf32, #tpu.memory_space<vmem>>, vector<1x128xf32>
      %mul3A_48 = arith.constant 9.99999974E-6 : f32
      %mul3A_49 = vector.broadcast %mul3A_48 : f32 to vector<1x128xf32>
      %mul3A_50 = arith.mulf %get3A_47, %mul3A_49 : vector<1x128xf32>
      %mul3A_51 = arith.mulf %mul3A_44, %mul3A_44 : vector<1x128xf32>
      %sub3A_52 = arith.subf %mul3A_50, %mul3A_51 : vector<1x128xf32>
      %max3A_53 = arith.constant 0.000000e+00 : f32
      %max3A_54 = vector.broadcast %max3A_53 : f32 to vector<1x128xf32>
      %max3A_55 = arith.maximumf %sub3A_52, %max3A_54 : vector<1x128xf32>
      %add3A_56 = arith.constant 9.99999974E-6 : f32
      %add3A_57 = vector.broadcast %add3A_56 : f32 to vector<1x128xf32>
      %add3A_58 = arith.addf %max3A_55, %add3A_57 : vector<1x128xf32>
      %rsqrt3A = math.rsqrt %add3A_58 : vector<1x128xf32>
      %get3A_59 = arith.constant 0 : index
      %get3A_60 = arith.constant 0 : index
      %get3A_61 = vector.load %arg7[%get3A_59, %get3A_60] : memref<1x128xf32, #tpu.memory_space<vmem>>, vector<1x128xf32>
      %mul3A_62 = arith.mulf %rsqrt3A, %get3A_61 : vector<1x128xf32>
      %get3A_63 = arith.constant 0 : index
      %get3A_64 = arith.constant 0 : index
      %get3A_65 = vector.load %arg8[%get3A_63, %get3A_64] : memref<1x128xf32, #tpu.memory_space<vmem>>, vector<1x128xf32>
      %mul3A_66 = arith.mulf %mul3A_44, %mul3A_62 : vector<1x128xf32>
      %sub3A_67 = arith.subf %get3A_65, %mul3A_66 : vector<1x128xf32>
      %concatenate3A = tpu.concatenate %mul3A_62, %sub3A_67 in 0 : vector<1x128xf32>, vector<1x128xf32> -> vector<2x128xf32>
      %swap3A_68 = arith.constant 0 : index
      %swap3A_69 = arith.constant 0 : index
      %swap3A_70 = vector.load %arg10[%swap3A_68, %swap3A_69] : memref<2x128xf32, #tpu.memory_space<vmem>>, vector<2x128xf32>
      tpu.vector_store %arg10[%swap3A_68, %swap3A_69], %concatenate3A {strides = array<i32>} : memref<2x128xf32, #tpu.memory_space<vmem>>, vector<2x128xf32>,
    } else {
    }
    %get3A = arith.constant 0 : index
    %get3A_2 = arith.constant 0 : index
    %get3A_3 = vector.load %arg2[%get3A, %get3A_2] : memref<4000x64xbf16, #tpu.memory_space<vmem>>, vector<4000x64xbf16>
    %get3A_4 = arith.constant 0 : index
    %get3A_5 = arith.constant 0 : index
    %get3A_6 = vector.load %arg4[%get3A_4, %get3A_5] : memref<64x128xf32, #tpu.memory_space<vmem>>, vector<64x128xf32>
    %convert_element_type3A_7 = arith.truncf %get3A_6 : vector<64x128xf32> to vector<64x128xbf16>
    %convert_element_type3A_8 = arith.extf %convert_element_type3A_7 : vector<64x128xbf16> to vector<64x128xf32>
    %sub3A = arith.subf %get3A_6, %convert_element_type3A_8 : vector<64x128xf32>
    %convert_element_type3A_9 = arith.truncf %sub3A : vector<64x128xf32> to vector<64x128xbf16>
    %dot_general3A = arith.constant dense<0.000000e+00> : vector<4000x128xf32>
    %dot_general3A_10 = tpu.matmul %get3A_3, %convert_element_type3A_7, %dot_general3A {dimension_numbers = #tpu.dot_dimension_numbers<[1], [0], [0], [1], [0, 0, 1, 1], [], []>, transpose_lhs_hint = false} : vector<4000x64xbf16>, vector<64x128xbf16>, vector<4000x128xf32> -> vector<4000x128xf32>
    %dot_general3A_11 = arith.constant dense<0.000000e+00> : vector<4000x128xf32>
    %dot_general3A_12 = tpu.matmul %get3A_3, %convert_element_type3A_9, %dot_general3A_11 {dimension_numbers = #tpu.dot_dimension_numbers<[1], [0], [0], [1], [0, 0, 1, 1], [], []>, transpose_lhs_hint = false} : vector<4000x64xbf16>, vector<64x128xbf16>, vector<4000x128xf32> -> vector<4000x128xf32>
    %add3A = arith.addf %dot_general3A_10, %dot_general3A_12 : vector<4000x128xf32>
    %get3A_13 = arith.constant 0 : index
    %get3A_14 = arith.constant 0 : index
    %get3A_15 = vector.load %arg5[%get3A_13, %get3A_14] : memref<1x128xf32, #tpu.memory_space<vmem>>, vector<1x128xf32>
    %add3A_16 = vector.broadcast %get3A_15 : vector<1x128xf32> to vector<4000x128xf32>
    %add3A_17 = arith.addf %add3A, %add3A_16 : vector<4000x128xf32>
    %get3A_18 = arith.constant 0 : index
    %get3A_19 = arith.constant 0 : index
    %get3A_20 = vector.load %arg3[%get3A_18, %get3A_19] : memref<4000x128xf32, #tpu.memory_space<vmem>>, vector<4000x128xf32>
    %sub3A_21 = arith.subf %add3A_17, %get3A_20 : vector<4000x128xf32>
    %max3A = arith.constant 0.000000e+00 : f32
    %max3A_22 = vector.broadcast %max3A : f32 to vector<4000x128xf32>
    %max3A_23 = arith.maximumf %sub3A_21, %max3A_22 : vector<4000x128xf32>
    %get3A_24 = arith.constant 0 : index
    %get3A_25 = arith.constant 0 : index
    %get3A_26 = vector.load %arg1[%get3A_24, %get3A_25] : memref<4000x128xf32, #tpu.memory_space<vmem>>, vector<4000x128xf32>
    %get3A_27 = arith.constant 0 : index
    %get3A_28 = arith.constant 0 : index
    %get3A_29 = vector.load %arg10[%get3A_27, %get3A_28] : memref<2x128xf32, #tpu.memory_space<vmem>>, vector<1x128xf32>
    %mul3A = vector.broadcast %get3A_29 : vector<1x128xf32> to vector<4000x128xf32>
    %mul3A_30 = arith.mulf %max3A_23, %mul3A : vector<4000x128xf32>
    %add3A_31 = arith.addf %get3A_26, %mul3A_30 : vector<4000x128xf32>
    %get3A_32 = arith.constant 1 : index
    %get3A_33 = arith.constant 0 : index
    %get3A_34 = vector.load %arg10[%get3A_32, %get3A_33] : memref<2x128xf32, #tpu.memory_space<vmem>>, vector<1x128xf32>
    %add3A_35 = vector.broadcast %get3A_34 : vector<1x128xf32> to vector<4000x128xf32>
    %add3A_36 = arith.addf %add3A_31, %add3A_35 : vector<4000x128xf32>
    %swap3A = arith.constant 0 : index
    %swap3A_37 = arith.constant 0 : index
    %swap3A_38 = vector.load %arg9[%swap3A, %swap3A_37] : memref<4000x128xf32, #tpu.memory_space<vmem>>, vector<4000x128xf32>
    tpu.vector_store %arg9[%swap3A, %swap3A_37], %add3A_36 {strides = array<i32>} : memref<4000x128xf32, #tpu.memory_space<vmem>>, vector<4000x128xf32>,
    return
  }
  func.func @transform_0(%arg0: i32) -> (i32, i32) {
    %c0_i32 = arith.constant 0 : i32
    %c0_i32_0 = arith.constant 0 : i32
    return %arg0, %c0_i32 : i32, i32
  }
  func.func @transform_1(%arg0: i32) -> (i32, i32) {
    %c0_i32 = arith.constant 0 : i32
    %c0_i32_0 = arith.constant 0 : i32
    return %arg0, %c0_i32 : i32, i32
  }
  func.func @transform_2(%arg0: i32) -> (i32, i32) {
    %c0_i32 = arith.constant 0 : i32
    %c0_i32_0 = arith.constant 0 : i32
    return %arg0, %c0_i32 : i32, i32
  }
  func.func @transform_3(%arg0: i32) -> (i32, i32) {
    %c0_i32 = arith.constant 0 : i32
    %c0_i32_0 = arith.constant 0 : i32
    %c0_i32_1 = arith.constant 0 : i32
    return %c0_i32, %c0_i32_0 : i32, i32
  }
  func.func @transform_4(%arg0: i32) -> (i32, i32) {
    %c0_i32 = arith.constant 0 : i32
    %c0_i32_0 = arith.constant 0 : i32
    %c0_i32_1 = arith.constant 0 : i32
    return %c0_i32, %c0_i32_0 : i32, i32
  }
  func.func @transform_5(%arg0: i32) -> (i32, i32) {
    %c0_i32 = arith.constant 0 : i32
    %c0_i32_0 = arith.constant 0 : i32
    %c0_i32_1 = arith.constant 0 : i32
    return %c0_i32, %c0_i32_0 : i32, i32
  }
  func.func @transform_6(%arg0: i32) -> (i32, i32) {
    %c0_i32 = arith.constant 0 : i32
    %c0_i32_0 = arith.constant 0 : i32
    %c0_i32_1 = arith.constant 0 : i32
    return %c0_i32, %c0_i32_0 : i32, i32
  }
  func.func @transform_7(%arg0: i32) -> (i32, i32) {
    %c0_i32 = arith.constant 0 : i32
    %c0_i32_0 = arith.constant 0 : i32
    %c0_i32_1 = arith.constant 0 : i32
    return %c0_i32, %c0_i32_0 : i32, i32
  }
  func.func @transform_8(%arg0: i32) -> (i32, i32) {
    %c0_i32 = arith.constant 0 : i32
    %c0_i32_0 = arith.constant 0 : i32
    return %arg0, %c0_i32 : i32, i32
  }
}

</mosaic_0001>

<sc_bundles>
// kernel: kernel.7.cloned.1.call-start
scs
__scs_entry_jumppad:
0x0: {  	(pc) =	sbr.rel $0x88, $3  }
0x1: {  	(tag) =	ssettag $0x0;
	lr =	simm.s32 $0x1  }
0x2: {  	[smem:$0x3F94] =	sst lr;
	_ =	strace $0xD0000000  }
0x3: {  	_ = 	snop  }
0x4: {  	_ = 	snop  }
0x5: {  	_ = 	snop  }
0x6: {  	_ = 	snop  }
0x7: {  	_ = 	snop  }
__scs_overlays_trampoline_lowered:
0x8: {  	[smem:$0x3FA3] =	sst s0  }
0x9: {  	[smem:$0x3FA4] =	sst s1  }
0xa: {  	[smem:$0x3FA5] =	sst s2  }
0xb: {  	[smem:$0x3FA6] =	sst s3  }
0xc: {  	[smem:$0x3FA7] =	sst s4  }
0xd: {  	[smem:$0x3FA8] =	sst s5  }
0xe: {  	[smem:$0x3FA9] =	sst s6  }
0xf: {  	[smem:$0x3FAA] =	sst s7  }
0x10: {  	[smem:$0x3FAB] =	sst s8  }
0x11: {  	[smem:$0x3FAC] =	sst s9;
	s0 =	simm.s32 @!p0 $0x0  }
0x12: {  	s1 =	sld [smem:$0x3F92];
	s0 =	simm.s32 @p0 $0x1  }
0x13: {  	[smem:$0x3FAD] =	sst s0;
	s0 =	simm.s32 @!p1 $0x0  }
0x14: {  	s2 =	sld [smem:$0x3F91];
	s0 =	simm.s32 @p1 $0x1  }
0x15: {  	[smem:$0x3FAE] =	sst s0;
	s0 =	simm.s32 @!p2 $0x0  }
0x16: {  	s3 =	sld [smem:$0x3FDB];
	s0 =	simm.s32 @p2 $0x1  }
0x17: {  	s4 =	simm.s32 $0x1BF5;
	[smem:$0x3FB0] =	sst s0  }
0x18: {  	s0 =	sld [smem:$0x3F93];
	_ =	swait.ge [sflag:s4], $0x0  }
0x19: {  	s7 =	sld [smem:$0x3F94]  }
0x1a: {  	s8 =	sadd.s32 $0xFFFFE003, lr  }
0x1b: {  	s9 =	sadd.s32 $0xFFFFFEF7, lr;
	s5 =	simm.s32 $0xFFFFFFFF;
	p2 =	slt.u32 s8, $0xFFFFF086  }
0x1c: {  	p1 =	slt.u32 s9, $0xF7A;
	s5 =	simm.s32 @!p2 $0x0  }
0x1d: {  	s5 =	simm.s32 @p1 $0x1;
	p0 =	seq.s32 s7, s2  }
0x1e: {  	s7 =	smul.u32 @!p0 $0xF7A, s2;
	p2 =	seq.s32 @!p0 s5, $0x0  }
0x1f: {  	s9 =	smul.u32 $0xF7A, s1;
	s8 =	simm.s32 @!p0 $0x1BF5;
	p2 =	por !p2, p0  }
0x20: {  	[sflag:s8] =	ssyncset.s32 @!p0 $0xFFFFF086;
	s6 =	sadd.s32 @!p0 s3, s7;
	s7 =	simm.s32 @!p0 $0x108  }
0x21: {  	s3 =	sadd.s32 s3, s9;
	s6 =	sadd.s32 @!p0 $0x88, s6;
	s7 =	simm.s32 @p2 $0x1082  }
0x22: {  	[simem:s7], [sflag:s8] =	dma.local @!p0 [hbm:s6], $0xF7A  }
0x23: {  	s9 =	sor.u32 $0xD0000000, s2;
	s6 =	simm.s32 $0x108;
	_ =	swait.ge @!p0 [sflag:s8], $0x0  }
0x24: {  	s3 =	sadd.s32 $0x88, s3;
	s6 =	simm.s32 @!p1 $0x1082;
	[sflag:s4] =	ssyncset.s32 $0xFFFFF086  }
0x25: {  	[simem:s6], [sflag:s4] =	dma.local [hbm:s3], $0xF7A  }
0x26: {  	[smem:$0x3F94] =	sst s1;
	(tag) =	ssettag s2;
	_ =	strace s9  }
0x27: {  	s1 =	sld [smem:$0x3FA4]  }
0x28: {  	s2 =	sld [smem:$0x3FA5]  }
0x29: {  	s4 =	sld [smem:$0x3FA7]  }
0x2a: {  	p0 =	seq.s32 s5, $0x0;
	s5 =	sld [smem:$0x3FA8]  }
0x2b: {  	s6 =	sld [smem:$0x3FA9]  }
0x2c: {  	s7 =	sld [smem:$0x3FAA]  }
0x2d: {  	s3 =	simm.s32 $0x108;
	s8 =	sld [smem:$0x3FAB]  }
0x2e: {  	s3 =	simm.s32 @!p0 $0x1082;
	s9 =	sld [smem:$0x3FAC]  }
0x2f: {  	lr =	sadd.s32 s0, s3;
	s0 =	sld [smem:$0x3FA3]  }
0x30: {  	s3 =	sld [smem:$0x3FA6]  }
0x31: {  	[smem:$0x3FAF] =	sst s10  }
0x32: {  	s10 =	sld [smem:$0x3FAD];
	_ =	sdelay $0x3  }
0x33: {  	p0 =	seq.s32 s10, $0x1;
	s10 =	sld [smem:$0x3FAF];
	_ =	sdelay $0x3  }
0x34: {  	[smem:$0x3FAF] =	sst s10  }
0x35: {  	s10 =	sld [smem:$0x3FAE];
	_ =	sdelay $0x3  }
0x36: {  	p1 =	seq.s32 s10, $0x1;
	s10 =	sld [smem:$0x3FAF];
	_ =	sdelay $0x3  }
0x37: {  	[smem:$0x3FAF] =	sst s10  }
0x38: {  	s10 =	sld [smem:$0x3FB0]  }
0x39: {  	_ = 	snop;
	(pc) =	sbr.ind lr, $3  }
0x3a: {  	_ = 	snop  }
0x3b: {  	_ = 	snop  }
0x3c: {  	p2 =	seq.s32 s10, $0x1;
	s10 =	sld [smem:$0x3FAF]  }
0x3d: {  	_ =	shalt  }
0x3e: {  	_ =	shalt  }
0x3f: {  	_ =	shalt  }
0x40: {  	_ =	shalt  }
0x41: {  	_ =	shalt  }
0x42: {  	_ =	shalt  }
0x43: {  	_ =	shalt  }
0x44: {  	_ =	shalt  }
0x45: {  	_ =	shalt  }
0x46: {  	_ =	shalt  }
0x47: {  	_ =	shalt  }
0x48: {  	_ =	shalt  }
0x49: {  	_ =	shalt  }
0x4a: {  	_ =	shalt  }
0x4b: {  	_ =	shalt  }
0x4c: {  	_ =	shalt  }
0x4d: {  	_ =	shalt  }
0x4e: {  	_ =	shalt  }
0x4f: {  	_ =	shalt  }
0x50: {  	_ =	shalt  }
0x51: {  	_ =	shalt  }
0x52: {  	_ =	shalt  }
0x53: {  	_ =	shalt  }
0x54: {  	_ =	shalt  }
0x55: {  	_ =	shalt  }
0x56: {  	_ =	shalt  }
0x57: {  	_ =	shalt  }
0x58: {  	_ =	shalt  }
0x59: {  	_ =	shalt  }
0x5a: {  	_ =	shalt  }
0x5b: {  	_ =	shalt  }
0x5c: {  	_ =	shalt  }
0x5d: {  	_ =	shalt  }
0x5e: {  	_ =	shalt  }
0x5f: {  	_ =	shalt  }
0x60: {  	_ =	shalt  }
0x61: {  	_ =	shalt  }
0x62: {  	_ =	shalt  }
0x63: {  	_ =	shalt  }
0x64: {  	_ =	shalt  }
0x65: {  	_ =	shalt  }
0x66: {  	_ =	shalt  }
0x67: {  	_ =	shalt  }
0x68: {  	_ =	shalt  }
0x69: {  	_ =	shalt  }
0x6a: {  	_ =	shalt  }
0x6b: {  	_ =	shalt  }
0x6c: {  	_ =	shalt  }
0x6d: {  	_ =	shalt  }
0x6e: {  	_ =	shalt  }
0x6f: {  	_ =	shalt  }
0x70: {  	_ =	shalt  }
0x71: {  	_ =	shalt  }
0x72: {  	_ =	shalt  }
0x73: {  	_ =	shalt  }
0x74: {  	_ =	shalt  }
0x75: {  	_ =	shalt  }
0x76: {  	_ =	shalt  }
0x77: {  	_ =	shalt  }
0x78: {  	_ =	shalt  }
0x79: {  	_ =	shalt  }
0x7a: {  	_ =	shalt  }
0x7b: {  	_ =	shalt  }
0x7c: {  	_ =	shalt  }
0x7d: {  	_ =	shalt  }
0x7e: {  	_ =	shalt  }
0x7f: {  	_ =	shalt  }
0x80: {  	_ =	shalt  }
0x81: {  	_ =	shalt  }
0x82: {  	_ =	shalt  }
0x83: {  	_ =	shalt  }
0x84: {  	_ =	shalt  }
0x85: {  	_ =	shalt  }
0x86: {  	_ =	shalt  }
0x87: {  	_ =	shalt  }
.Lfunc_end0:
.L_simem_size_0:
called_computation_lowered:
.L_overlay_start_0:
0x88: {  	s2 =	sld [smem:$0x3FD9]  }
0x89: {  	s3 =	sld [smem:$0x3FFE];
	_ =	sdelay $0x1  }
0x8a: {  	s1 =	srdreg.scid  }
0x8b: {  	s0 =	sand.u32 $0x1, s1  }
0x8c: {  	s17 =	sshll.u32 s0, $0xA;
	s2 =	sadd.s32 s3, s2  }
0x8d: {  	s2 =	sadd.s32 s2, s17  }
0x8e: {  	[smem:$0x3FBB] =	sst s2  }
0x8f: {  	_ = 	snop  }
0x90: {  	s2 =	sld [smem:$0x3FD0];
	(tm) =	ssettm $0x1  }
0x91: {  	s18 =	sld [smem:$0x3FFB];
	_ =	sdelay $0x3  }
0x92: {  	_ =	strace s18  }
0x93: {  	s3 =	sld [smem:$0x3FFC];
	_ =	sdelay $0x3  }
0x94: {  	_ =	strace s3  }
0x95: {  	s3 =	sld [smem:$0x3FFD];
	_ =	sdelay $0x3  }
0x96: {  	_ =	strace s3  }
0x97: {  	_ =	strace $0x8FFFFFFF  }
0x98: {  	s19 =	sld [smem:$0x3FDB];
	_ =	sdelay $0x1  }
0x99: {  	s4 =	simm.s32 $_scs_section_size  }
0x9a: {  	s5 =	simm.s32 $_size__tile_overlayer_lowered;
	s6 =	simm.s32 $_tile_overlayer_lowered  }
0x9b: {  	s22 =	simm.s32 $0x1BFF;
	s21 =	sshll.u32 s6, $0x1;
	s3 =	sadd.s32 s4, s19  }
0x9c: {  	s7 =	simm.s32 $0x0;
	s20 =	sshll.u32 s5, $0x1;
	s5 =	sadd.s32 s21, s3  }
0x9d: {  	[timem:s7], [sflag:s22] =	dma.local [hbm:s5], s20  }
0x9e: {  	_ =	swait.ge [sflag:s22], s20  }
0x9f: {  	s4 =	ssub.s32 $0x0, s20;
	[sflag:s22] =	ssyncset.done $0x0  }
0xa0: {  	[sflag:s22] =	ssyncadd.s32 s4;
	_ =	sdelay $0x1  }
0xa1: {  	s23 =	simm.s32 $0x1B8B  }
0xa2: {  	_ =	swait.ge [sflag:s23], $0x1  }
0xa3: {  	[sflag:s23] =	ssyncset.done $0x0  }
0xa4: {  	s25 =	simm.s32 $0x1B8E;
	s24 =	sld [smem:$0x3FFE];
	[sflag:s23] =	ssyncadd.s32 $0xFFFFFFFF  }
0xa5: {  	s26 =	simm.s32 $execute0_lowered;
	[smem:$0x3FD2] =	sst s25  }
0xa6: {  	s5 =	sshll.u32 s26, $0x1;
	_ =	strace $0x80000046;
	[dreg:$0x1] =	wrdreg $0xFFFFFFFF  }
0xa7: {  	s28 =	simm.s32 $_size_execute0_lowered;
	s3 =	sadd.s32 s3, s5;
	[dreg:$0x0] =	wrdreg $0x0  }
0xa8: {  	s5 =	sshll.u32 s28, $0x1;
	[dreg:$0x2] =	wrdreg s3  }
0xa9: {  	[dreg:$0x3] =	wrdreg s5  }
0xaa: {  	[dreg:$0x4] =	wrdreg $0xC0  }
0xab: {  	_ =	task [dreg:s7], $0x5FFFF  }
0xac: {  	[dreg:$0x1] =	wrdreg $0xFFFFFFFF  }
0xad: {  	[dreg:$0x0] =	wrdreg $0x60  }
0xae: {  	[dreg:$0x2] =	wrdreg s2  }
0xaf: {  	[dreg:$0x3] =	wrdreg s24  }
0xb0: {  	[dreg:$0x4] =	wrdreg $0x9  }
0xb1: {  	_ =	task.clear_ibuf [dreg:s7], $0x5FFFF;
	_ =	strace $0x90000046  }
0xb2: {  	s29 =	simm.s32 $0x9;
	_ =	strace $0x80000048  }
0xb3: {  	_ =	swait.ge [sflag:s29], $0x1  }
0xb4: {  	[sflag:s29] =	ssyncadd.s32 $0xFFFFFFFF  }
0xb5: {  	_ =	strace $0x90000048  }
0xb6: {  	_ =	sfence  }
0xb7: {  	s30 =	sld [smem:$0x0];
	_ =	sdelay $0x2  }
0xb8: {  	s31 =	sshll.u32 s1, $0xD;
	s1 =	sshrl.u32 s1, $0x2  }
0xb9: {  	s3 =	sand.u32 $0x4000, s31;
	s1 =	sadd.s32 s1, s30  }
0xba: {  	s0 =	sor.u32 s3, s0;
	s1 =	sshll.u32 s1, $0x11  }
0xbb: {  	s0 =	sor.u32 s1, s0  }
0xbc: {  	s0 =	sadd.s32 $0x8F2B, s0  }
0xbd: {  	[sflag:s0] =	ssyncadd.remote.s32 $0x1  }
0xbe: {  	_ =	sfence.sel $0xFFFF  }
0xbf: {  	[dreg:$0x0] =	wrdreg $0xFFFFFFFF;
	(pc) =	sbr.abs _section_cstart, $3  }
0xc0: {  	[dreg:$0x1] =	wrdreg $0xFFFFFFFF  }
0xc1: {  	_ =	task.clear_ibuf [dreg:s7], $0x2FFFF;
	_ =	strace $0x9FFFFFFF  }
0xc2: {  	(tm) =	ssettm $0x7FFFFFFF  }
0xc3: {  	_ =	shalt  }
tec
execute0_lowered:
.L_overlay_start_1:
0x0: {  	(tag) =	ssettag $0x1  }
0x1: {  	s1 =	rddreg [dreg:$0x0]  }
0x2: {  	s4 =	rddreg [dreg:$0x1]  }
0x3: {  	s0 =	rddreg [dreg:$0x2];
	s3 =	simm.s32 $0x0  }
0x4: {  	s5 =	srdreg.scid;
	s2 =	stileid.u32;
	s11 =	simm.s32 $0x0  }
0x5: {  	[smem:$0x7FF] =	sst s3;
	s5 =	sand.u32 $0x1, s5;
	s6 =	sshll.u32 s2, $0xA  }
0x6: {  	s8 =	smul.u32 $0x19000, s2;
	_ =	strace $0x80000047;
	s7 =	sshll.u32 s5, $0x9  }
0x7: {  	s9 =	ssub.s32 $0x2, s5;
	s10 =	smul.u32 $0xC800, s5;
	s6 =	sor.u32 s7, s6  }
0x8: {  	s29 =	sshrl.u32 s9, $0x1;
	s31 =	sadd.s32 s8, s4;
	s8 =	simm.s32 $0x80  }
0x9: {  	s30 =	sadd.s32 s6, s4;
	s7 =	ssub.s32 s9, s29;
	s6 =	sadd.s32 s10, s31  }
0xa: {  	s9 =	simm.s32 $0x1000;
	s10 =	simm.s32 $0x1;
	s4 =	sadd.s32 $0x1C00, s30  }
0xb: {  	s5 =	smax.u32 s7, $0x1;
	s6 =	sadd.s32 $0xC9200, s6;
	s7 =	simm.s32 $0x2  }
.LBB2_1:
0xc: {  	[tilespmem:s3], [sflag:$0x2] =	stream.linear.gather [hbm4b:s4+s3], $0xC80, $0x38;
	[tilespmem:$0x5000] =	vst v63  }
0xd: {  	_ =	swait.ge [sflag:s7], $0xC80  }
0xe: {  	[sflag:s7] =	ssyncset.done $0x0  }
0xf: {  	s12 =	simm.s32 $0x0;
	[sflag:s7] =	ssyncadd.s32 $0xFFFFF380  }
0x10: {  	[tilespmem:s9], [sflag:$0x1] =	stream.indirect.gather [hbm4b:s1+s8], $0x80, s12, s8, $0xb8;
	[tilespmem:$0x5000] =	vst v63  }
0x11: {  	_ =	swait.ge [sflag:s10], $0x4000  }
0x12: {  	[sflag:s10] =	ssyncset.done $0x0  }
0x13: {  	[sflag:s10] =	ssyncadd.s32 $0xFFFFC000  }
0x14: {  	[hbm4b:s6+s3] =	stream.linear.scatter [tilespmem:s9], [sflag:$0x2], $0x4000, $0x38;
	[tilespmem:$0x5000] =	vst v63  }
0x15: {  	s13 =	simm.s32 $0x200;
	_ =	swait.ge [sflag:s7], $0x4000  }
0x16: {  	s14 =	simm.s32 $0x400;
	s12 =	sadd.s32 $0x800, s6;
	[sflag:s7] =	ssyncset.done $0x0  }
.LBB2_2:
0x17: {  	s15 =	sshra.s32 s13, $0x2  }
0x18: {  	[sflag:s7] =	ssyncadd.s32 $0xFFFFC000;
	s13 =	smov.u32 s14;
	s16 =	sadd.s32 $0x200, s14  }
0x19: {  	[tilespmem:s9], [sflag:$0x1] =	stream.indirect.gather [hbm4b:s1+s8], $0x80, s15, s8, $0xb8;
	[tilespmem:$0x5000] =	vst v63  }
0x1a: {  	p0 =	sne.s32 s14, $0x3000;
	_ =	swait.ge [sflag:s10], $0x4000  }
.Ltmp0:
0x1b: {  	[sflag:s10] =	ssyncset.done $0x0;
	(pc) =	sbr.rel @p0 .LBB2_2-.Ltmp0, $4  }
0x1c: {  	[sflag:s10] =	ssyncadd.s32 $0xFFFFC000  }
0x1d: {  	[hbm4b:s12+s3] =	stream.linear.scatter [tilespmem:s9], [sflag:$0x2], $0x4000, $0x38;
	[tilespmem:$0x5000] =	vst v63  }
0x1e: {  	_ =	swait.ge [sflag:s7], $0x4000  }
0x1f: {  	s14 =	smov.u32 s16;
	s12 =	sadd.s32 $0x800, s12;
	[sflag:s7] =	ssyncset.done $0x0  }
0x20: {  	s13 =	sshra.s32 s13, $0x2;
	[sflag:s7] =	ssyncadd.s32 $0xFFFFC000  }
0x21: {  	[tilespmem:s9], [sflag:$0x1] =	stream.indirect.gather [hbm4b:s1+s8], $0x80, s13, s8, $0xb8;
	[tilespmem:$0x5000] =	vst v63  }
0x22: {  	s11 =	sadd.s32 $0x1, s11;
	_ =	swait.ge [sflag:s10], $0x4000  }
0x23: {  	p0 =	sne.s32 s11, s5;
	[sflag:s10] =	ssyncset.done $0x0  }
.Ltmp1:
0x24: {  	[sflag:s10] =	ssyncadd.s32 $0xFFFFC000;
	(pc) =	sbr.rel @p0 .LBB2_1-.Ltmp1, $4  }
0x25: {  	[hbm4b:s12+s3] =	stream.linear.scatter [tilespmem:s9], [sflag:$0x2], $0x4000, $0x38;
	[tilespmem:$0x5000] =	vst v63  }
0x26: {  	_ =	swait.ge [sflag:s7], $0x4000  }
0x27: {  	[sflag:s7] =	ssyncset.done $0x0  }
0x28: {  	[sflag:s7] =	ssyncadd.s32 $0xFFFFC000  }
0x29: {  	_ =	sfence.sel $0x180000  }
0x2a: {  	[bflag:$0x0] =	sbarrier.arrive $0xFFFF  }
0x2b: {  	p0 =	sne.s32 s2, $0x0;
	_ =	strace $0x90000047  }
0x2c: {  	s0 =	sadd.s32 @!p0 $0x100000, s0;
	[bflag:$0x2] =	sbarrier.arrive $0xFFFF  }
0x2d: {  	[sflag:s0] =	ssyncadd.tile.s32 @!p0 $0x1;
	_ =	shalt  }
.Lfunc_end2:
_tile_overlayer_lowered:
.L_overlay_start_2:
0x2e: {  	(tag) =	ssettag $0x2  }
0x2f: {  	s0 =	rddreg [dreg:$0x0];
	s2 =	stileid.u32  }
0x30: {  	s1 =	rddreg [dreg:$0x1];
	p0 =	sne.s32 s2, $0x0  }
0x31: {  	s3 =	rddreg [dreg:$0x2];
	[bflag:$0x3] =	sbarrier.arrive $0xFFFF;
	s2 =	simm.s32 @!p0 $0x1C02  }
0x32: {  	[timem:s3], [sflag:s2] =	dma.local @!p0 [hbm:s0], s1  }
0x33: {  	s0 =	simm.s32 @!p0 $0x2  }
0x34: {  	_ =	swait.ge @!p0 [sflag:s0], s1  }
0x35: {  	s1 =	ssub.s32 @!p0 $0x0, s1;
	[sflag:s0] =	ssyncset.done @!p0 $0x0  }
0x36: {  	[sflag:s0] =	ssyncadd.s32 @!p0 s1  }
0x37: {  	[bflag:$0x3] =	sbarrier.arrive $0xFFFF  }
0x38: {  	_ =	shalt  }

</sc_bundles>
